<compile_context>
chip_gen: v7x
topology: tpu7x:2x2x1
jax: 0.10.2.dev20260603
libtpu: 0.0.44.dev20260713+nightly
codegen_flags: <defaults>
</compile_context>

<pallas_src>
import jax
import jax.numpy as jnp
from jax import lax
from jax.experimental import pallas as pl
from jax.experimental.pallas import tpu as pltpu
from jax.experimental.pallas import tpu_sc as plsc

_DIM = 64
_SEQ = 200
_BATCH = 4096
_ROWS = _BATCH * _SEQ

_NC = 2
_NS = 16
_L = 16
_NW = _NC * _NS
_BW = _BATCH // _NW
_NBUF = 2


def _body(idxT_hbm, tok_hbm, pos_hbm, scat_hbm, z_hbm,
          idx_all, g0, g1, o0, o1, pos_v, ab_v,
          gsem0, gsem1, osem0, osem1):
    wid = lax.axis_index("s") * _NC + lax.axis_index("c")
    b0 = wid * _BW
    gb = [g0, g1]
    ob = [o0, o1]
    gsem = [gsem0, gsem1]
    osem = [osem0, osem1]

    pltpu.sync_copy(idxT_hbm.at[:, pl.ds(b0, _BW)], idx_all)
    pltpu.sync_copy(pos_hbm.at[_SEQ - 1], pos_v)
    pltpu.sync_copy(scat_hbm, ab_v)

    pos_regs = [pos_v[pl.ds(j * _L, _L)] for j in range(_DIM // _L)]
    abi = [(ab_v[j, 0, pl.ds(0, _L)], ab_v[j, 1, pl.ds(0, _L)])
           for j in range(_DIM // _L)]
    zeros = ab_v[0, 2, pl.ds(0, _L)]
    ones = ab_v[1, 2, pl.ds(0, _L)]

    def start_gather(t, b):
        pltpu.async_copy(tok_hbm.at[idx_all.at[t]], gb[b], gsem[b])

    start_gather(0, 0)

    def outer(i, carry):
        tbase = i * _NBUF
        for b in range(_NBUF):
            t = tbase + b
            nb = (b + 1) % _NBUF

            @pl.when(t + 1 < _SEQ)
            def _prefetch():
                @pl.when(t >= 1)
                def _drain_prev_out():
                    pltpu.make_async_copy(
                        ob[nb].at[:, :, pl.ds(0, _BW)],
                        z_hbm.at[0, :, wid], osem[nb]).wait()
                start_gather(t + 1, nb)

            pltpu.make_async_copy(
                tok_hbm.at[pl.ds(0, _BW)], gb[b], gsem[b]).wait()

            def row(r, i2):
                for j in range(_DIM // _L):
                    v = gb[b][r, pl.ds(j * _L, _L)] + pos_regs[j]
                    plsc.store_scatter(ob[b], [abi[j][0], abi[j][1], i2], v)
                return i2 + ones

            lax.fori_loop(0, _BW, row, zeros, unroll=8)
            pltpu.async_copy(
                ob[b].at[:, :, pl.ds(0, _BW)], z_hbm.at[t, :, wid], osem[b])
        return carry

    lax.fori_loop(0, _SEQ // _NBUF, outer, 0)
    for b in range(_NBUF):
        pltpu.make_async_copy(
            ob[b].at[:, :, pl.ds(0, _BW)], z_hbm.at[0, :, wid], osem[b]).wait()


def kernel(inputs, token_table, pos_table):
    idxT = inputs.T.astype(jnp.int32)
    dgrid = jnp.arange(_DIM, dtype=jnp.int32).reshape(_DIM // _L, _L)
    cvec = jnp.tile(jnp.array([[0], [1], [0], [0]], jnp.int32), (1, _L))
    scat = jnp.stack([dgrid >> 3, dgrid & 7, cvec], axis=1)
    tok_padded = jnp.pad(token_table, ((0, 0), (0, 128 - _DIM)))
    mesh = plsc.VectorSubcoreMesh(core_axis_name="c", subcore_axis_name="s")
    k = pl.kernel(
        _body,
        mesh=mesh,
        out_type=jax.ShapeDtypeStruct((_SEQ, 8, _NW, 8, 128), jnp.float32),
        scratch_types=[
            pltpu.VMEM((_SEQ, _BW), jnp.int32),
            pltpu.VMEM((_BW, 128), jnp.float32),
            pltpu.VMEM((_BW, 128), jnp.float32),
            pltpu.VMEM((8, 8, 129), jnp.float32),
            pltpu.VMEM((8, 8, 129), jnp.float32),
            pltpu.VMEM((_DIM,), jnp.float32),
            pltpu.VMEM((4, 3, _L), jnp.int32),
            pltpu.SemaphoreType.DMA,
            pltpu.SemaphoreType.DMA,
            pltpu.SemaphoreType.DMA,
            pltpu.SemaphoreType.DMA,
        ],
        compiler_params=pltpu.CompilerParams(use_tc_tiling_on_sc=False, needs_layout_passes=False),
    )
    z = k(idxT, tok_padded, pos_table, scat)
    return z.transpose(2, 4, 0, 1, 3).reshape(_BATCH, _SEQ, _DIM)

# --- scband reference (transcript-rebuilt; emitter-appended) ---
"""Pipeline reference for scband-embeddings-39324720562610 (READ-ONLY COPY).

The authoritative reference and input builder live on the scoring server;
editing this copy changes nothing except your own understanding.
"""

import jax, jax.numpy as jnp
import numpy as np

VOCAB = 1000000
EMBED_DIM = 64
INPUTS_LENGTH = 200
BATCH = 4096

def setup_inputs(seed: int = 0) -> dict:
    key = jax.random.key(seed)
    k1, k2, k3 = jax.random.split(key, 3)
    inputs = jax.random.randint(k1, (BATCH, INPUTS_LENGTH), 0, VOCAB, dtype=jnp.int64 if jax.config.jax_enable_x64 else jnp.int32)
    token_table = jax.random.normal(k2, (VOCAB, EMBED_DIM), dtype=jnp.float32) * 0.05
    pos_table = jax.random.normal(k3, (INPUTS_LENGTH, EMBED_DIM), dtype=jnp.float32) * 0.05
    return {"inputs": inputs, "token_table": token_table, "pos_table": pos_table}

def reference(inputs, token_table, pos_table):
    # token_embed = Embedding(vocab, dim, mask_zero=True)(inputs)
    # mask_zero only affects keras masking metadata, not the embedded values.
    token_embed = jnp.take(token_table, inputs, axis=0)
    # Original code (faithfully reproduced, including its quirk) looks up the
    # positional table at index == inputs_length (a single scalar index).
    # TF/JAX clamp out-of-range gather indices, so this yields the last row.
    positional_embed = jnp.take(pos_table, jnp.asarray(INPUTS_LENGTH), axis=0, mode="clip")
    embedding = token_embed + positional_embed
    return embedding

if __name__ == "__main__":
    import jax
    _d = setup_inputs()
    print(jax.jit(kernel)(*tuple(_d.values())))

</pallas_src>

<mosaic_0001>
#map = affine_map<(d0, d1) -> (0, 0)>
#map1 = affine_map<(d0, d1) -> (0, 0, 0)>
#map2 = affine_map<(d0, d1) -> (0, 0, 0, 0, 0)>
module attributes {stable_mosaic.version = 14 : i64} {
  func.func @_body(%arg0: i32, %arg1: i32, %arg2: memref<200x4096xi32, #tpu.memory_space<hbm>>, %arg3: memref<1000000x128xf32, #tpu.memory_space<hbm>>, %arg4: memref<200x64xf32, #tpu.memory_space<hbm>>, %arg5: memref<4x3x16xi32, #tpu.memory_space<hbm>>, %arg6: memref<200x8x32x8x128xf32, #tpu.memory_space<hbm>>, %arg7: memref<200x128xi32, #tpu.memory_space<vmem>>, %arg8: memref<128x128xf32, #tpu.memory_space<vmem>>, %arg9: memref<128x128xf32, #tpu.memory_space<vmem>>, %arg10: memref<8x8x129xf32, #tpu.memory_space<vmem>>, %arg11: memref<8x8x129xf32, #tpu.memory_space<vmem>>, %arg12: memref<64xf32, #tpu.memory_space<vmem>>, %arg13: memref<4x3x16xi32, #tpu.memory_space<vmem>>, %arg14: memref<!tpu.dma_semaphore, #tpu.memory_space<semaphore_mem>>, %arg15: memref<!tpu.dma_semaphore, #tpu.memory_space<semaphore_mem>>, %arg16: memref<!tpu.dma_semaphore, #tpu.memory_space<semaphore_mem>>, %arg17: memref<!tpu.dma_semaphore, #tpu.memory_space<semaphore_mem>>) attributes {dimension_semantics = [#tpu.dimension_semantics<core_parallel>, #tpu.dimension_semantics<subcore_parallel>], iteration_bounds = array<i64: 2, 16>, scalar_prefetch = 0 : i64, scratch_operands = 11 : i64, tpu.core_type = #tpu.core_type<sc_vector_subcore>, window_params = [{transform_indices = #map}, {transform_indices = #map}, {transform_indices = #map}, {transform_indices = #map1}, {transform_indices = #map2}]} {
    %mul3A = arith.constant 2 : i32
    %mul3A_0 = arith.muli %arg1, %mul3A : i32
    %add3A = arith.addi %mul3A_0, %arg0 : i32
    %mul3A_1 = arith.constant 128 : i32
    %mul3A_2 = arith.muli %add3A, %mul3A_1 : i32
    "tpu.region"() ({
      %run_scoped3A_118 = tpu.sem_alloc : memref<!tpu.dma_semaphore, #tpu.memory_space<semaphore_mem>>
      %dma_start3A_119 = arith.constant 0 : i32
      %dma_start3A_120 = tpu.memref_slice %arg2[%dma_start3A_119, %mul3A_2] : memref<200x4096xi32, #tpu.memory_space<hbm>> -> memref<200x128xi32, #tpu.memory_space<hbm>>
      %dma_start3A_121 = arith.constant 0 : i32
      %dma_start3A_122 = tpu.memref_slice %arg2[%dma_start3A_121, %mul3A_2] : memref<200x4096xi32, #tpu.memory_space<hbm>> -> memref<200x128xi32, #tpu.memory_space<hbm>>
      tpu.enqueue_dma source(%dma_start3A_122 : memref<200x128xi32, #tpu.memory_space<hbm>>) target(%arg7 : memref<200x128xi32, #tpu.memory_space<vmem>>) target_semaphore(%run_scoped3A_118 : memref<!tpu.dma_semaphore, #tpu.memory_space<semaphore_mem>>)
      %dma_wait3A_123 = arith.constant 0 : i32
      %dma_wait3A_124 = tpu.memref_slice %arg2[%dma_wait3A_123, %mul3A_2] : memref<200x4096xi32, #tpu.memory_space<hbm>> -> memref<200x128xi32, #tpu.memory_space<hbm>>
      %dma_wait3A_125 = arith.constant 0 : i32
      %dma_wait3A_126 = tpu.memref_slice %arg2[%dma_wait3A_125, %mul3A_2] : memref<200x4096xi32, #tpu.memory_space<hbm>> -> memref<200x128xi32, #tpu.memory_space<hbm>>
      tpu.wait_dma2 semaphore(%run_scoped3A_118 : memref<!tpu.dma_semaphore, #tpu.memory_space<semaphore_mem>>) src(%dma_wait3A_126 : memref<200x128xi32, #tpu.memory_space<hbm>>) dst(%arg7 : memref<200x128xi32, #tpu.memory_space<vmem>>)
      tpu.yield
    }) : () -> ()
    %run_scoped3A = arith.constant 199 : i32
    "tpu.region"() ({
      %run_scoped3A_118 = tpu.sem_alloc : memref<!tpu.dma_semaphore, #tpu.memory_space<semaphore_mem>>
      %dma_start3A_119 = arith.constant 0 : i32
      %dma_start3A_120 = tpu.memref_slice %arg4[%run_scoped3A, %dma_start3A_119] : memref<200x64xf32, #tpu.memory_space<hbm>> -> memref<1x64xf32, #tpu.memory_space<hbm>>
      %dma_start3A_121 = tpu.memref_squeeze %dma_start3A_120 : memref<1x64xf32, #tpu.memory_space<hbm>> -> memref<64xf32, #tpu.memory_space<hbm>>
      %dma_start3A_122 = arith.constant 0 : i32
      %dma_start3A_123 = tpu.memref_slice %arg4[%run_scoped3A, %dma_start3A_122] : memref<200x64xf32, #tpu.memory_space<hbm>> -> memref<1x64xf32, #tpu.memory_space<hbm>>
      %dma_start3A_124 = tpu.memref_squeeze %dma_start3A_123 : memref<1x64xf32, #tpu.memory_space<hbm>> -> memref<64xf32, #tpu.memory_space<hbm>>
      tpu.enqueue_dma source(%dma_start3A_124 : memref<64xf32, #tpu.memory_space<hbm>>) target(%arg12 : memref<64xf32, #tpu.memory_space<vmem>>) target_semaphore(%run_scoped3A_118 : memref<!tpu.dma_semaphore, #tpu.memory_space<semaphore_mem>>)
      %dma_wait3A_125 = arith.constant 0 : i32
      %dma_wait3A_126 = tpu.memref_slice %arg4[%run_scoped3A, %dma_wait3A_125] : memref<200x64xf32, #tpu.memory_space<hbm>> -> memref<1x64xf32, #tpu.memory_space<hbm>>
      %dma_wait3A_127 = tpu.memref_squeeze %dma_wait3A_126 : memref<1x64xf32, #tpu.memory_space<hbm>> -> memref<64xf32, #tpu.memory_space<hbm>>
      %dma_wait3A_128 = arith.constant 0 : i32
      %dma_wait3A_129 = tpu.memref_slice %arg4[%run_scoped3A, %dma_wait3A_128] : memref<200x64xf32, #tpu.memory_space<hbm>> -> memref<1x64xf32, #tpu.memory_space<hbm>>
      %dma_wait3A_130 = tpu.memref_squeeze %dma_wait3A_129 : memref<1x64xf32, #tpu.memory_space<hbm>> -> memref<64xf32, #tpu.memory_space<hbm>>
      tpu.wait_dma2 semaphore(%run_scoped3A_118 : memref<!tpu.dma_semaphore, #tpu.memory_space<semaphore_mem>>) src(%dma_wait3A_130 : memref<64xf32, #tpu.memory_space<hbm>>) dst(%arg12 : memref<64xf32, #tpu.memory_space<vmem>>)
      tpu.yield
    }) : () -> ()
    "tpu.region"() ({
      %run_scoped3A_118 = tpu.sem_alloc : memref<!tpu.dma_semaphore, #tpu.memory_space<semaphore_mem>>
      tpu.enqueue_dma source(%arg5 : memref<4x3x16xi32, #tpu.memory_space<hbm>>) target(%arg13 : memref<4x3x16xi32, #tpu.memory_space<vmem>>) target_semaphore(%run_scoped3A_118 : memref<!tpu.dma_semaphore, #tpu.memory_space<semaphore_mem>>)
      tpu.wait_dma2 semaphore(%run_scoped3A_118 : memref<!tpu.dma_semaphore, #tpu.memory_space<semaphore_mem>>) src(%arg5 : memref<4x3x16xi32, #tpu.memory_space<hbm>>) dst(%arg13 : memref<4x3x16xi32, #tpu.memory_space<vmem>>)
      tpu.yield
    }) : () -> ()
    %get3A = arith.constant 0 : index
    %get3A_3 = tpu.vector_load %arg12[%get3A] {strides = array<i32>} : memref<64xf32, #tpu.memory_space<vmem>>, vector<16xf32>,
    %get3A_4 = arith.constant 16 : index
    %get3A_5 = tpu.vector_load %arg12[%get3A_4] {strides = array<i32>} : memref<64xf32, #tpu.memory_space<vmem>>, vector<16xf32>,
    %get3A_6 = arith.constant 32 : index
    %get3A_7 = tpu.vector_load %arg12[%get3A_6] {strides = array<i32>} : memref<64xf32, #tpu.memory_space<vmem>>, vector<16xf32>,
    %get3A_8 = arith.constant 48 : index
    %get3A_9 = tpu.vector_load %arg12[%get3A_8] {strides = array<i32>} : memref<64xf32, #tpu.memory_space<vmem>>, vector<16xf32>,
    %get3A_10 = arith.constant 0 : i32
    %get3A_11 = arith.constant 0 : i32
    %get3A_12 = arith.index_cast %get3A_10 : i32 to index
    %get3A_13 = arith.index_cast %get3A_11 : i32 to index
    %get3A_14 = arith.constant 0 : index
    %get3A_15 = tpu.vector_load %arg13[%get3A_12, %get3A_13, %get3A_14] {strides = array<i32>} : memref<4x3x16xi32, #tpu.memory_space<vmem>>, vector<16xi32>,
    %get3A_16 = arith.constant 0 : i32
    %get3A_17 = arith.constant 1 : i32
    %get3A_18 = arith.index_cast %get3A_16 : i32 to index
    %get3A_19 = arith.index_cast %get3A_17 : i32 to index
    %get3A_20 = arith.constant 0 : index
    %get3A_21 = tpu.vector_load %arg13[%get3A_18, %get3A_19, %get3A_20] {strides = array<i32>} : memref<4x3x16xi32, #tpu.memory_space<vmem>>, vector<16xi32>,
    %get3A_22 = arith.constant 1 : i32
    %get3A_23 = arith.constant 0 : i32
    %get3A_24 = arith.index_cast %get3A_22 : i32 to index
    %get3A_25 = arith.index_cast %get3A_23 : i32 to index
    %get3A_26 = arith.constant 0 : index
    %get3A_27 = tpu.vector_load %arg13[%get3A_24, %get3A_25, %get3A_26] {strides = array<i32>} : memref<4x3x16xi32, #tpu.memory_space<vmem>>, vector<16xi32>,
    %get3A_28 = arith.constant 1 : i32
    %get3A_29 = arith.constant 1 : i32
    %get3A_30 = arith.index_cast %get3A_28 : i32 to index
    %get3A_31 = arith.index_cast %get3A_29 : i32 to index
    %get3A_32 = arith.constant 0 : index
    %get3A_33 = tpu.vector_load %arg13[%get3A_30, %get3A_31, %get3A_32] {strides = array<i32>} : memref<4x3x16xi32, #tpu.memory_space<vmem>>, vector<16xi32>,
    %get3A_34 = arith.constant 2 : i32
    %get3A_35 = arith.constant 0 : i32
    %get3A_36 = arith.index_cast %get3A_34 : i32 to index
    %get3A_37 = arith.index_cast %get3A_35 : i32 to index
    %get3A_38 = arith.constant 0 : index
    %get3A_39 = tpu.vector_load %arg13[%get3A_36, %get3A_37, %get3A_38] {strides = array<i32>} : memref<4x3x16xi32, #tpu.memory_space<vmem>>, vector<16xi32>,
    %get3A_40 = arith.constant 2 : i32
    %get3A_41 = arith.constant 1 : i32
    %get3A_42 = arith.index_cast %get3A_40 : i32 to index
    %get3A_43 = arith.index_cast %get3A_41 : i32 to index
    %get3A_44 = arith.constant 0 : index
    %get3A_45 = tpu.vector_load %arg13[%get3A_42, %get3A_43, %get3A_44] {strides = array<i32>} : memref<4x3x16xi32, #tpu.memory_space<vmem>>, vector<16xi32>,
    %get3A_46 = arith.constant 3 : i32
    %get3A_47 = arith.constant 0 : i32
    %get3A_48 = arith.index_cast %get3A_46 : i32 to index
    %get3A_49 = arith.index_cast %get3A_47 : i32 to index
    %get3A_50 = arith.constant 0 : index
    %get3A_51 = tpu.vector_load %arg13[%get3A_48, %get3A_49, %get3A_50] {strides = array<i32>} : memref<4x3x16xi32, #tpu.memory_space<vmem>>, vector<16xi32>,
    %get3A_52 = arith.constant 3 : i32
    %get3A_53 = arith.constant 1 : i32
    %get3A_54 = arith.index_cast %get3A_52 : i32 to index
    %get3A_55 = arith.index_cast %get3A_53 : i32 to index
    %get3A_56 = arith.constant 0 : index
    %get3A_57 = tpu.vector_load %arg13[%get3A_54, %get3A_55, %get3A_56] {strides = array<i32>} : memref<4x3x16xi32, #tpu.memory_space<vmem>>, vector<16xi32>,
    %get3A_58 = arith.constant 0 : i32
    %get3A_59 = arith.constant 2 : i32
    %get3A_60 = arith.index_cast %get3A_58 : i32 to index
    %get3A_61 = arith.index_cast %get3A_59 : i32 to index
    %get3A_62 = arith.constant 0 : index
    %get3A_63 = tpu.vector_load %arg13[%get3A_60, %get3A_61, %get3A_62] {strides = array<i32>} : memref<4x3x16xi32, #tpu.memory_space<vmem>>, vector<16xi32>,
    %get3A_64 = arith.constant 1 : i32
    %get3A_65 = arith.constant 2 : i32
    %get3A_66 = arith.index_cast %get3A_64 : i32 to index
    %get3A_67 = arith.index_cast %get3A_65 : i32 to index
    %get3A_68 = arith.constant 0 : index
    %get3A_69 = tpu.vector_load %arg13[%get3A_66, %get3A_67, %get3A_68] {strides = array<i32>} : memref<4x3x16xi32, #tpu.memory_space<vmem>>, vector<16xi32>,
    %dma_start3A = arith.constant 0 : i32
    %dma_start3A_70 = arith.constant 0 : i32
    %dma_start3A_71 = tpu.memref_slice %arg7[%dma_start3A, %dma_start3A_70] : memref<200x128xi32, #tpu.memory_space<vmem>> -> memref<1x128xi32, #tpu.memory_space<vmem>>
    %dma_start3A_72 = tpu.memref_squeeze %dma_start3A_71 : memref<1x128xi32, #tpu.memory_space<vmem>> -> memref<128xi32, #tpu.memory_space<vmem>>
    %dma_start3A_73 = arith.constant 0 : i32
    %dma_start3A_74 = arith.constant 0 : i32
    %dma_start3A_75 = tpu.memref_slice %arg3[%dma_start3A_73, %dma_start3A_74] : memref<1000000x128xf32, #tpu.memory_space<hbm>> -> memref<1000000x128xf32, #tpu.memory_space<hbm>>
    tpu.enqueue_indirect_dma source(%dma_start3A_75 : memref<1000000x128xf32, #tpu.memory_space<hbm>>) target(%arg8 : memref<128x128xf32, #tpu.memory_space<vmem>>) offsets(%dma_start3A_72 : memref<128xi32, #tpu.memory_space<vmem>>) semaphore(%arg14 : memref<!tpu.dma_semaphore, #tpu.memory_space<semaphore_mem>>)
    %scan3A = arith.constant 0 : i32
    %scan3A_76 = arith.constant 0 : i32
    %scan3A_77 = arith.constant 100 : i32
    %scan3A_78 = arith.addi %scan3A_76, %scan3A_77 : i32
    %scan3A_79 = arith.constant 1 : i32
    scf.for %scan3A_118 = %scan3A_76 to %scan3A_78 step %scan3A_79  : i32 {
      %mul3A_119 = arith.constant 2 : i32
      %mul3A_120 = arith.muli %scan3A_118, %mul3A_119 : i32
      %add3A_121 = arith.constant 0 : i32
      %add3A_122 = arith.addi %mul3A_120, %add3A_121 : i32
      %add3A_123 = arith.constant 1 : i32
      %add3A_124 = arith.addi %add3A_122, %add3A_123 : i32
      %lt3A = arith.constant 200 : i32
      %lt3A_125 = arith.cmpi slt, %add3A_124, %lt3A : i32
      %convert_element_type3A = arith.extui %lt3A_125 : i1 to i32
      %cond3A = arith.constant 0 : i32
      %cond3A_126 = arith.cmpi ne, %convert_element_type3A, %cond3A : i32
      scf.if %cond3A_126 {
        %ge3A = arith.constant 1 : i32
        %ge3A_196 = arith.cmpi sge, %add3A_122, %ge3A : i32
        %convert_element_type3A_197 = arith.extui %ge3A_196 : i1 to i32
        %cond3A_198 = arith.constant 0 : i32
        %cond3A_199 = arith.cmpi ne, %convert_element_type3A_197, %cond3A_198 : i32
        scf.if %cond3A_199 {
          %dma_wait3A_208 = arith.constant 0 : i32
          %dma_wait3A_209 = arith.constant 0 : i32
          %dma_wait3A_210 = arith.constant 0 : i32
          %dma_wait3A_211 = arith.constant 0 : i32
          %dma_wait3A_212 = tpu.memref_slice %arg11[%dma_wait3A_209, %dma_wait3A_210, %dma_wait3A_211] : memref<8x8x129xf32, #tpu.memory_space<vmem>> -> memref<8x8x128xf32, #tpu.memory_space<vmem>>
          %dma_wait3A_213 = arith.constant 0 : i32
          %dma_wait3A_214 = arith.constant 0 : i32
          %dma_wait3A_215 = arith.constant 0 : i32
          %dma_wait3A_216 = tpu.memref_slice %arg6[%dma_wait3A_208, %dma_wait3A_213, %add3A, %dma_wait3A_214, %dma_wait3A_215] : memref<200x8x32x8x128xf32, #tpu.memory_space<hbm>> -> memref<1x8x1x8x128xf32, #tpu.memory_space<hbm>>
          %dma_wait3A_217 = tpu.memref_squeeze %dma_wait3A_216 : memref<1x8x1x8x128xf32, #tpu.memory_space<hbm>> -> memref<8x8x128xf32, #tpu.memory_space<hbm>>
          %dma_wait3A_218 = arith.constant 0 : i32
          %dma_wait3A_219 = arith.constant 0 : i32
          %dma_wait3A_220 = arith.constant 0 : i32
          %dma_wait3A_221 = tpu.memref_slice %arg6[%dma_wait3A_208, %dma_wait3A_218, %add3A, %dma_wait3A_219, %dma_wait3A_220] : memref<200x8x32x8x128xf32, #tpu.memory_space<hbm>> -> memref<1x8x1x8x128xf32, #tpu.memory_space<hbm>>
          %dma_wait3A_222 = tpu.memref_squeeze %dma_wait3A_221 : memref<1x8x1x8x128xf32, #tpu.memory_space<hbm>> -> memref<8x8x128xf32, #tpu.memory_space<hbm>>
          %dma_wait3A_223 = arith.constant 0 : i32
          %dma_wait3A_224 = arith.constant 0 : i32
          %dma_wait3A_225 = arith.constant 0 : i32
          %dma_wait3A_226 = tpu.memref_slice %arg11[%dma_wait3A_223, %dma_wait3A_224, %dma_wait3A_225] : memref<8x8x129xf32, #tpu.memory_space<vmem>> -> memref<8x8x128xf32, #tpu.memory_space<vmem>>
          tpu.wait_dma2 semaphore(%arg17 : memref<!tpu.dma_semaphore, #tpu.memory_space<semaphore_mem>>) src(%dma_wait3A_226 : memref<8x8x128xf32, #tpu.memory_space<vmem>>) dst(%dma_wait3A_222 : memref<8x8x128xf32, #tpu.memory_space<hbm>>)
        } else {
        }
        %add3A_200 = arith.constant 1 : i32
        %add3A_201 = arith.addi %add3A_122, %add3A_200 : i32
        %dma_start3A_202 = arith.constant 0 : i32
        %dma_start3A_203 = tpu.memref_slice %arg7[%add3A_201, %dma_start3A_202] : memref<200x128xi32, #tpu.memory_space<vmem>> -> memref<1x128xi32, #tpu.memory_space<vmem>>
        %dma_start3A_204 = tpu.memref_squeeze %dma_start3A_203 : memref<1x128xi32, #tpu.memory_space<vmem>> -> memref<128xi32, #tpu.memory_space<vmem>>
        %dma_start3A_205 = arith.constant 0 : i32
        %dma_start3A_206 = arith.constant 0 : i32
        %dma_start3A_207 = tpu.memref_slice %arg3[%dma_start3A_205, %dma_start3A_206] : memref<1000000x128xf32, #tpu.memory_space<hbm>> -> memref<1000000x128xf32, #tpu.memory_space<hbm>>
        tpu.enqueue_indirect_dma source(%dma_start3A_207 : memref<1000000x128xf32, #tpu.memory_space<hbm>>) target(%arg9 : memref<128x128xf32, #tpu.memory_space<vmem>>) offsets(%dma_start3A_204 : memref<128xi32, #tpu.memory_space<vmem>>) semaphore(%arg15 : memref<!tpu.dma_semaphore, #tpu.memory_space<semaphore_mem>>)
      } else {
      }
      %dma_wait3A_127 = arith.constant 0 : i32
      %dma_wait3A_128 = arith.constant 0 : i32
      %dma_wait3A_129 = tpu.memref_slice %arg3[%dma_wait3A_127, %dma_wait3A_128] : memref<1000000x128xf32, #tpu.memory_space<hbm>> -> memref<128x128xf32, #tpu.memory_space<hbm>>
      %dma_wait3A_130 = arith.constant 0 : i32
      %dma_wait3A_131 = arith.constant 0 : i32
      %dma_wait3A_132 = tpu.memref_slice %arg3[%dma_wait3A_130, %dma_wait3A_131] : memref<1000000x128xf32, #tpu.memory_space<hbm>> -> memref<128x128xf32, #tpu.memory_space<hbm>>
      tpu.wait_dma2 semaphore(%arg14 : memref<!tpu.dma_semaphore, #tpu.memory_space<semaphore_mem>>) src(%dma_wait3A_132 : memref<128x128xf32, #tpu.memory_space<hbm>>) dst(%arg8 : memref<128x128xf32, #tpu.memory_space<vmem>>)
      %scan3A_133 = arith.constant 0 : i32
      %scan3A_134 = arith.constant 128 : i32
      %scan3A_135 = arith.addi %scan3A_133, %scan3A_134 : i32
      %scan3A_136 = arith.constant 8 : i32
      %scan3A_137 = scf.for %scan3A_196 = %scan3A_133 to %scan3A_135 step %scan3A_136 iter_args(%scan3A_197 = %get3A_63) -> (vector<16xi32>)  : i32 {
        %get3A_198 = arith.index_cast %scan3A_196 : i32 to index
        %get3A_199 = arith.constant 0 : index
        %get3A_200 = tpu.vector_load %arg8[%get3A_198, %get3A_199] {strides = array<i32>} : memref<128x128xf32, #tpu.memory_space<vmem>>, vector<16xf32>,
        %add3A_201 = arith.addf %get3A_200, %get3A_3 : vector<16xf32>
        tpu.vector_store_idx %arg10[%get3A_15, %get3A_21, %scan3A_197], %add3A_201 : memref<8x8x129xf32, #tpu.memory_space<vmem>>[vector<16xi32>, vector<16xi32>, vector<16xi32>], vector<16xf32>,
        %get3A_202 = arith.index_cast %scan3A_196 : i32 to index
        %get3A_203 = arith.constant 16 : index
        %get3A_204 = tpu.vector_load %arg8[%get3A_202, %get3A_203] {strides = array<i32>} : memref<128x128xf32, #tpu.memory_space<vmem>>, vector<16xf32>,
        %add3A_205 = arith.addf %get3A_204, %get3A_5 : vector<16xf32>
        tpu.vector_store_idx %arg10[%get3A_27, %get3A_33, %scan3A_197], %add3A_205 : memref<8x8x129xf32, #tpu.memory_space<vmem>>[vector<16xi32>, vector<16xi32>, vector<16xi32>], vector<16xf32>,
        %get3A_206 = arith.index_cast %scan3A_196 : i32 to index
        %get3A_207 = arith.constant 32 : index
        %get3A_208 = tpu.vector_load %arg8[%get3A_206, %get3A_207] {strides = array<i32>} : memref<128x128xf32, #tpu.memory_space<vmem>>, vector<16xf32>,
        %add3A_209 = arith.addf %get3A_208, %get3A_7 : vector<16xf32>
        tpu.vector_store_idx %arg10[%get3A_39, %get3A_45, %scan3A_197], %add3A_209 : memref<8x8x129xf32, #tpu.memory_space<vmem>>[vector<16xi32>, vector<16xi32>, vector<16xi32>], vector<16xf32>,
        %get3A_210 = arith.index_cast %scan3A_196 : i32 to index
        %get3A_211 = arith.constant 48 : index
        %get3A_212 = tpu.vector_load %arg8[%get3A_210, %get3A_211] {strides = array<i32>} : memref<128x128xf32, #tpu.memory_space<vmem>>, vector<16xf32>,
        %add3A_213 = arith.addf %get3A_212, %get3A_9 : vector<16xf32>
        tpu.vector_store_idx %arg10[%get3A_51, %get3A_57, %scan3A_197], %add3A_213 : memref<8x8x129xf32, #tpu.memory_space<vmem>>[vector<16xi32>, vector<16xi32>, vector<16xi32>], vector<16xf32>,
        %add3A_214 = arith.addi %scan3A_197, %get3A_69 : vector<16xi32>
        %scan3A_215 = arith.constant 1 : i32
        %scan3A_216 = arith.addi %scan3A_196, %scan3A_215 : i32
        %get3A_217 = arith.index_cast %scan3A_216 : i32 to index
        %get3A_218 = arith.constant 0 : index
        %get3A_219 = tpu.vector_load %arg8[%get3A_217, %get3A_218] {strides = array<i32>} : memref<128x128xf32, #tpu.memory_space<vmem>>, vector<16xf32>,
        %add3A_220 = arith.addf %get3A_219, %get3A_3 : vector<16xf32>
        tpu.vector_store_idx %arg10[%get3A_15, %get3A_21, %add3A_214], %add3A_220 : memref<8x8x129xf32, #tpu.memory_space<vmem>>[vector<16xi32>, vector<16xi32>, vector<16xi32>], vector<16xf32>,
        %get3A_221 = arith.index_cast %scan3A_216 : i32 to index
        %get3A_222 = arith.constant 16 : index
        %get3A_223 = tpu.vector_load %arg8[%get3A_221, %get3A_222] {strides = array<i32>} : memref<128x128xf32, #tpu.memory_space<vmem>>, vector<16xf32>,
        %add3A_224 = arith.addf %get3A_223, %get3A_5 : vector<16xf32>
        tpu.vector_store_idx %arg10[%get3A_27, %get3A_33, %add3A_214], %add3A_224 : memref<8x8x129xf32, #tpu.memory_space<vmem>>[vector<16xi32>, vector<16xi32>, vector<16xi32>], vector<16xf32>,
        %get3A_225 = arith.index_cast %scan3A_216 : i32 to index
        %get3A_226 = arith.constant 32 : index
        %get3A_227 = tpu.vector_load %arg8[%get3A_225, %get3A_226] {strides = array<i32>} : memref<128x128xf32, #tpu.memory_space<vmem>>, vector<16xf32>,
        %add3A_228 = arith.addf %get3A_227, %get3A_7 : vector<16xf32>
        tpu.vector_store_idx %arg10[%get3A_39, %get3A_45, %add3A_214], %add3A_228 : memref<8x8x129xf32, #tpu.memory_space<vmem>>[vector<16xi32>, vector<16xi32>, vector<16xi32>], vector<16xf32>,
        %get3A_229 = arith.index_cast %scan3A_216 : i32 to index
        %get3A_230 = arith.constant 48 : index
        %get3A_231 = tpu.vector_load %arg8[%get3A_229, %get3A_230] {strides = array<i32>} : memref<128x128xf32, #tpu.memory_space<vmem>>, vector<16xf32>,
        %add3A_232 = arith.addf %get3A_231, %get3A_9 : vector<16xf32>
        tpu.vector_store_idx %arg10[%get3A_51, %get3A_57, %add3A_214], %add3A_232 : memref<8x8x129xf32, #tpu.memory_space<vmem>>[vector<16xi32>, vector<16xi32>, vector<16xi32>], vector<16xf32>,
        %add3A_233 = arith.addi %add3A_214, %get3A_69 : vector<16xi32>
        %scan3A_234 = arith.constant 2 : i32
        %scan3A_235 = arith.addi %scan3A_196, %scan3A_234 : i32
        %get3A_236 = arith.index_cast %scan3A_235 : i32 to index
        %get3A_237 = arith.constant 0 : index
        %get3A_238 = tpu.vector_load %arg8[%get3A_236, %get3A_237] {strides = array<i32>} : memref<128x128xf32, #tpu.memory_space<vmem>>, vector<16xf32>,
        %add3A_239 = arith.addf %get3A_238, %get3A_3 : vector<16xf32>
        tpu.vector_store_idx %arg10[%get3A_15, %get3A_21, %add3A_233], %add3A_239 : memref<8x8x129xf32, #tpu.memory_space<vmem>>[vector<16xi32>, vector<16xi32>, vector<16xi32>], vector<16xf32>,
        %get3A_240 = arith.index_cast %scan3A_235 : i32 to index
        %get3A_241 = arith.constant 16 : index
        %get3A_242 = tpu.vector_load %arg8[%get3A_240, %get3A_241] {strides = array<i32>} : memref<128x128xf32, #tpu.memory_space<vmem>>, vector<16xf32>,
        %add3A_243 = arith.addf %get3A_242, %get3A_5 : vector<16xf32>
        tpu.vector_store_idx %arg10[%get3A_27, %get3A_33, %add3A_233], %add3A_243 : memref<8x8x129xf32, #tpu.memory_space<vmem>>[vector<16xi32>, vector<16xi32>, vector<16xi32>], vector<16xf32>,
        %get3A_244 = arith.index_cast %scan3A_235 : i32 to index
        %get3A_245 = arith.constant 32 : index
        %get3A_246 = tpu.vector_load %arg8[%get3A_244, %get3A_245] {strides = array<i32>} : memref<128x128xf32, #tpu.memory_space<vmem>>, vector<16xf32>,
        %add3A_247 = arith.addf %get3A_246, %get3A_7 : vector<16xf32>
        tpu.vector_store_idx %arg10[%get3A_39, %get3A_45, %add3A_233], %add3A_247 : memref<8x8x129xf32, #tpu.memory_space<vmem>>[vector<16xi32>, vector<16xi32>, vector<16xi32>], vector<16xf32>,
        %get3A_248 = arith.index_cast %scan3A_235 : i32 to index
        %get3A_249 = arith.constant 48 : index
        %get3A_250 = tpu.vector_load %arg8[%get3A_248, %get3A_249] {strides = array<i32>} : memref<128x128xf32, #tpu.memory_space<vmem>>, vector<16xf32>,
        %add3A_251 = arith.addf %get3A_250, %get3A_9 : vector<16xf32>
        tpu.vector_store_idx %arg10[%get3A_51, %get3A_57, %add3A_233], %add3A_251 : memref<8x8x129xf32, #tpu.memory_space<vmem>>[vector<16xi32>, vector<16xi32>, vector<16xi32>], vector<16xf32>,
        %add3A_252 = arith.addi %add3A_233, %get3A_69 : vector<16xi32>
        %scan3A_253 = arith.constant 3 : i32
        %scan3A_254 = arith.addi %scan3A_196, %scan3A_253 : i32
        %get3A_255 = arith.index_cast %scan3A_254 : i32 to index
        %get3A_256 = arith.constant 0 : index
        %get3A_257 = tpu.vector_load %arg8[%get3A_255, %get3A_256] {strides = array<i32>} : memref<128x128xf32, #tpu.memory_space<vmem>>, vector<16xf32>,
        %add3A_258 = arith.addf %get3A_257, %get3A_3 : vector<16xf32>
        tpu.vector_store_idx %arg10[%get3A_15, %get3A_21, %add3A_252], %add3A_258 : memref<8x8x129xf32, #tpu.memory_space<vmem>>[vector<16xi32>, vector<16xi32>, vector<16xi32>], vector<16xf32>,
        %get3A_259 = arith.index_cast %scan3A_254 : i32 to index
        %get3A_260 = arith.constant 16 : index
        %get3A_261 = tpu.vector_load %arg8[%get3A_259, %get3A_260] {strides = array<i32>} : memref<128x128xf32, #tpu.memory_space<vmem>>, vector<16xf32>,
        %add3A_262 = arith.addf %get3A_261, %get3A_5 : vector<16xf32>
        tpu.vector_store_idx %arg10[%get3A_27, %get3A_33, %add3A_252], %add3A_262 : memref<8x8x129xf32, #tpu.memory_space<vmem>>[vector<16xi32>, vector<16xi32>, vector<16xi32>], vector<16xf32>,
        %get3A_263 = arith.index_cast %scan3A_254 : i32 to index
        %get3A_264 = arith.constant 32 : index
        %get3A_265 = tpu.vector_load %arg8[%get3A_263, %get3A_264] {strides = array<i32>} : memref<128x128xf32, #tpu.memory_space<vmem>>, vector<16xf32>,
        %add3A_266 = arith.addf %get3A_265, %get3A_7 : vector<16xf32>
        tpu.vector_store_idx %arg10[%get3A_39, %get3A_45, %add3A_252], %add3A_266 : memref<8x8x129xf32, #tpu.memory_space<vmem>>[vector<16xi32>, vector<16xi32>, vector<16xi32>], vector<16xf32>,
        %get3A_267 = arith.index_cast %scan3A_254 : i32 to index
        %get3A_268 = arith.constant 48 : index
        %get3A_269 = tpu.vector_load %arg8[%get3A_267, %get3A_268] {strides = array<i32>} : memref<128x128xf32, #tpu.memory_space<vmem>>, vector<16xf32>,
        %add3A_270 = arith.addf %get3A_269, %get3A_9 : vector<16xf32>
        tpu.vector_store_idx %arg10[%get3A_51, %get3A_57, %add3A_252], %add3A_270 : memref<8x8x129xf32, #tpu.memory_space<vmem>>[vector<16xi32>, vector<16xi32>, vector<16xi32>], vector<16xf32>,
        %add3A_271 = arith.addi %add3A_252, %get3A_69 : vector<16xi32>
        %scan3A_272 = arith.constant 4 : i32
        %scan3A_273 = arith.addi %scan3A_196, %scan3A_272 : i32
        %get3A_274 = arith.index_cast %scan3A_273 : i32 to index
        %get3A_275 = arith.constant 0 : index
        %get3A_276 = tpu.vector_load %arg8[%get3A_274, %get3A_275] {strides = array<i32>} : memref<128x128xf32, #tpu.memory_space<vmem>>, vector<16xf32>,
        %add3A_277 = arith.addf %get3A_276, %get3A_3 : vector<16xf32>
        tpu.vector_store_idx %arg10[%get3A_15, %get3A_21, %add3A_271], %add3A_277 : memref<8x8x129xf32, #tpu.memory_space<vmem>>[vector<16xi32>, vector<16xi32>, vector<16xi32>], vector<16xf32>,
        %get3A_278 = arith.index_cast %scan3A_273 : i32 to index
        %get3A_279 = arith.constant 16 : index
        %get3A_280 = tpu.vector_load %arg8[%get3A_278, %get3A_279] {strides = array<i32>} : memref<128x128xf32, #tpu.memory_space<vmem>>, vector<16xf32>,
        %add3A_281 = arith.addf %get3A_280, %get3A_5 : vector<16xf32>
        tpu.vector_store_idx %arg10[%get3A_27, %get3A_33, %add3A_271], %add3A_281 : memref<8x8x129xf32, #tpu.memory_space<vmem>>[vector<16xi32>, vector<16xi32>, vector<16xi32>], vector<16xf32>,
        %get3A_282 = arith.index_cast %scan3A_273 : i32 to index
        %get3A_283 = arith.constant 32 : index
        %get3A_284 = tpu.vector_load %arg8[%get3A_282, %get3A_283] {strides = array<i32>} : memref<128x128xf32, #tpu.memory_space<vmem>>, vector<16xf32>,
        %add3A_285 = arith.addf %get3A_284, %get3A_7 : vector<16xf32>
        tpu.vector_store_idx %arg10[%get3A_39, %get3A_45, %add3A_271], %add3A_285 : memref<8x8x129xf32, #tpu.memory_space<vmem>>[vector<16xi32>, vector<16xi32>, vector<16xi32>], vector<16xf32>,
        %get3A_286 = arith.index_cast %scan3A_273 : i32 to index
        %get3A_287 = arith.constant 48 : index
        %get3A_288 = tpu.vector_load %arg8[%get3A_286, %get3A_287] {strides = array<i32>} : memref<128x128xf32, #tpu.memory_space<vmem>>, vector<16xf32>,
        %add3A_289 = arith.addf %get3A_288, %get3A_9 : vector<16xf32>
        tpu.vector_store_idx %arg10[%get3A_51, %get3A_57, %add3A_271], %add3A_289 : memref<8x8x129xf32, #tpu.memory_space<vmem>>[vector<16xi32>, vector<16xi32>, vector<16xi32>], vector<16xf32>,
        %add3A_290 = arith.addi %add3A_271, %get3A_69 : vector<16xi32>
        %scan3A_291 = arith.constant 5 : i32
        %scan3A_292 = arith.addi %scan3A_196, %scan3A_291 : i32
        %get3A_293 = arith.index_cast %scan3A_292 : i32 to index
        %get3A_294 = arith.constant 0 : index
        %get3A_295 = tpu.vector_load %arg8[%get3A_293, %get3A_294] {strides = array<i32>} : memref<128x128xf32, #tpu.memory_space<vmem>>, vector<16xf32>,
        %add3A_296 = arith.addf %get3A_295, %get3A_3 : vector<16xf32>
        tpu.vector_store_idx %arg10[%get3A_15, %get3A_21, %add3A_290], %add3A_296 : memref<8x8x129xf32, #tpu.memory_space<vmem>>[vector<16xi32>, vector<16xi32>, vector<16xi32>], vector<16xf32>,
        %get3A_297 = arith.index_cast %scan3A_292 : i32 to index
        %get3A_298 = arith.constant 16 : index
        %get3A_299 = tpu.vector_load %arg8[%get3A_297, %get3A_298] {strides = array<i32>} : memref<128x128xf32, #tpu.memory_space<vmem>>, vector<16xf32>,
        %add3A_300 = arith.addf %get3A_299, %get3A_5 : vector<16xf32>
        tpu.vector_store_idx %arg10[%get3A_27, %get3A_33, %add3A_290], %add3A_300 : memref<8x8x129xf32, #tpu.memory_space<vmem>>[vector<16xi32>, vector<16xi32>, vector<16xi32>], vector<16xf32>,
        %get3A_301 = arith.index_cast %scan3A_292 : i32 to index
        %get3A_302 = arith.constant 32 : index
        %get3A_303 = tpu.vector_load %arg8[%get3A_301, %get3A_302] {strides = array<i32>} : memref<128x128xf32, #tpu.memory_space<vmem>>, vector<16xf32>,
        %add3A_304 = arith.addf %get3A_303, %get3A_7 : vector<16xf32>
        tpu.vector_store_idx %arg10[%get3A_39, %get3A_45, %add3A_290], %add3A_304 : memref<8x8x129xf32, #tpu.memory_space<vmem>>[vector<16xi32>, vector<16xi32>, vector<16xi32>], vector<16xf32>,
        %get3A_305 = arith.index_cast %scan3A_292 : i32 to index
        %get3A_306 = arith.constant 48 : index
        %get3A_307 = tpu.vector_load %arg8[%get3A_305, %get3A_306] {strides = array<i32>} : memref<128x128xf32, #tpu.memory_space<vmem>>, vector<16xf32>,
        %add3A_308 = arith.addf %get3A_307, %get3A_9 : vector<16xf32>
        tpu.vector_store_idx %arg10[%get3A_51, %get3A_57, %add3A_290], %add3A_308 : memref<8x8x129xf32, #tpu.memory_space<vmem>>[vector<16xi32>, vector<16xi32>, vector<16xi32>], vector<16xf32>,
        %add3A_309 = arith.addi %add3A_290, %get3A_69 : vector<16xi32>
        %scan3A_310 = arith.constant 6 : i32
        %scan3A_311 = arith.addi %scan3A_196, %scan3A_310 : i32
        %get3A_312 = arith.index_cast %scan3A_311 : i32 to index
        %get3A_313 = arith.constant 0 : index
        %get3A_314 = tpu.vector_load %arg8[%get3A_312, %get3A_313] {strides = array<i32>} : memref<128x128xf32, #tpu.memory_space<vmem>>, vector<16xf32>,
        %add3A_315 = arith.addf %get3A_314, %get3A_3 : vector<16xf32>
        tpu.vector_store_idx %arg10[%get3A_15, %get3A_21, %add3A_309], %add3A_315 : memref<8x8x129xf32, #tpu.memory_space<vmem>>[vector<16xi32>, vector<16xi32>, vector<16xi32>], vector<16xf32>,
        %get3A_316 = arith.index_cast %scan3A_311 : i32 to index
        %get3A_317 = arith.constant 16 : index
        %get3A_318 = tpu.vector_load %arg8[%get3A_316, %get3A_317] {strides = array<i32>} : memref<128x128xf32, #tpu.memory_space<vmem>>, vector<16xf32>,
        %add3A_319 = arith.addf %get3A_318, %get3A_5 : vector<16xf32>
        tpu.vector_store_idx %arg10[%get3A_27, %get3A_33, %add3A_309], %add3A_319 : memref<8x8x129xf32, #tpu.memory_space<vmem>>[vector<16xi32>, vector<16xi32>, vector<16xi32>], vector<16xf32>,
        %get3A_320 = arith.index_cast %scan3A_311 : i32 to index
        %get3A_321 = arith.constant 32 : index
        %get3A_322 = tpu.vector_load %arg8[%get3A_320, %get3A_321] {strides = array<i32>} : memref<128x128xf32, #tpu.memory_space<vmem>>, vector<16xf32>,
        %add3A_323 = arith.addf %get3A_322, %get3A_7 : vector<16xf32>
        tpu.vector_store_idx %arg10[%get3A_39, %get3A_45, %add3A_309], %add3A_323 : memref<8x8x129xf32, #tpu.memory_space<vmem>>[vector<16xi32>, vector<16xi32>, vector<16xi32>], vector<16xf32>,
        %get3A_324 = arith.index_cast %scan3A_311 : i32 to index
        %get3A_325 = arith.constant 48 : index
        %get3A_326 = tpu.vector_load %arg8[%get3A_324, %get3A_325] {strides = array<i32>} : memref<128x128xf32, #tpu.memory_space<vmem>>, vector<16xf32>,
        %add3A_327 = arith.addf %get3A_326, %get3A_9 : vector<16xf32>
        tpu.vector_store_idx %arg10[%get3A_51, %get3A_57, %add3A_309], %add3A_327 : memref<8x8x129xf32, #tpu.memory_space<vmem>>[vector<16xi32>, vector<16xi32>, vector<16xi32>], vector<16xf32>,
        %add3A_328 = arith.addi %add3A_309, %get3A_69 : vector<16xi32>
        %scan3A_329 = arith.constant 7 : i32
        %scan3A_330 = arith.addi %scan3A_196, %scan3A_329 : i32
        %get3A_331 = arith.index_cast %scan3A_330 : i32 to index
        %get3A_332 = arith.constant 0 : index
        %get3A_333 = tpu.vector_load %arg8[%get3A_331, %get3A_332] {strides = array<i32>} : memref<128x128xf32, #tpu.memory_space<vmem>>, vector<16xf32>,
        %add3A_334 = arith.addf %get3A_333, %get3A_3 : vector<16xf32>
        tpu.vector_store_idx %arg10[%get3A_15, %get3A_21, %add3A_328], %add3A_334 : memref<8x8x129xf32, #tpu.memory_space<vmem>>[vector<16xi32>, vector<16xi32>, vector<16xi32>], vector<16xf32>,
        %get3A_335 = arith.index_cast %scan3A_330 : i32 to index
        %get3A_336 = arith.constant 16 : index
        %get3A_337 = tpu.vector_load %arg8[%get3A_335, %get3A_336] {strides = array<i32>} : memref<128x128xf32, #tpu.memory_space<vmem>>, vector<16xf32>,
        %add3A_338 = arith.addf %get3A_337, %get3A_5 : vector<16xf32>
        tpu.vector_store_idx %arg10[%get3A_27, %get3A_33, %add3A_328], %add3A_338 : memref<8x8x129xf32, #tpu.memory_space<vmem>>[vector<16xi32>, vector<16xi32>, vector<16xi32>], vector<16xf32>,
        %get3A_339 = arith.index_cast %scan3A_330 : i32 to index
        %get3A_340 = arith.constant 32 : index
        %get3A_341 = tpu.vector_load %arg8[%get3A_339, %get3A_340] {strides = array<i32>} : memref<128x128xf32, #tpu.memory_space<vmem>>, vector<16xf32>,
        %add3A_342 = arith.addf %get3A_341, %get3A_7 : vector<16xf32>
        tpu.vector_store_idx %arg10[%get3A_39, %get3A_45, %add3A_328], %add3A_342 : memref<8x8x129xf32, #tpu.memory_space<vmem>>[vector<16xi32>, vector<16xi32>, vector<16xi32>], vector<16xf32>,
        %get3A_343 = arith.index_cast %scan3A_330 : i32 to index
        %get3A_344 = arith.constant 48 : index
        %get3A_345 = tpu.vector_load %arg8[%get3A_343, %get3A_344] {strides = array<i32>} : memref<128x128xf32, #tpu.memory_space<vmem>>, vector<16xf32>,
        %add3A_346 = arith.addf %get3A_345, %get3A_9 : vector<16xf32>
        tpu.vector_store_idx %arg10[%get3A_51, %get3A_57, %add3A_328], %add3A_346 : memref<8x8x129xf32, #tpu.memory_space<vmem>>[vector<16xi32>, vector<16xi32>, vector<16xi32>], vector<16xf32>,
        %add3A_347 = arith.addi %add3A_328, %get3A_69 : vector<16xi32>
        scf.yield %add3A_347 : vector<16xi32>
      }
      %scan3A_138 = arith.constant 128 : i32
      %dma_start3A_139 = arith.constant 0 : i32
      %dma_start3A_140 = arith.constant 0 : i32
      %dma_start3A_141 = arith.constant 0 : i32
      %dma_start3A_142 = tpu.memref_slice %arg10[%dma_start3A_139, %dma_start3A_140, %dma_start3A_141] : memref<8x8x129xf32, #tpu.memory_space<vmem>> -> memref<8x8x128xf32, #tpu.memory_space<vmem>>
      %dma_start3A_143 = arith.constant 0 : i32
      %dma_start3A_144 = arith.constant 0 : i32
      %dma_start3A_145 = arith.constant 0 : i32
      %dma_start3A_146 = tpu.memref_slice %arg6[%add3A_122, %dma_start3A_143, %add3A, %dma_start3A_144, %dma_start3A_145] : memref<200x8x32x8x128xf32, #tpu.memory_space<hbm>> -> memref<1x8x1x8x128xf32, #tpu.memory_space<hbm>>
      %dma_start3A_147 = tpu.memref_squeeze %dma_start3A_146 : memref<1x8x1x8x128xf32, #tpu.memory_space<hbm>> -> memref<8x8x128xf32, #tpu.memory_space<hbm>>
      %dma_start3A_148 = arith.constant 0 : i32
      %dma_start3A_149 = arith.constant 0 : i32
      %dma_start3A_150 = arith.constant 0 : i32
      %dma_start3A_151 = tpu.memref_slice %arg6[%add3A_122, %dma_start3A_148, %add3A, %dma_start3A_149, %dma_start3A_150] : memref<200x8x32x8x128xf32, #tpu.memory_space<hbm>> -> memref<1x8x1x8x128xf32, #tpu.memory_space<hbm>>
      %dma_start3A_152 = tpu.memref_squeeze %dma_start3A_151 : memref<1x8x1x8x128xf32, #tpu.memory_space<hbm>> -> memref<8x8x128xf32, #tpu.memory_space<hbm>>
      %dma_start3A_153 = arith.constant 0 : i32
      %dma_start3A_154 = arith.constant 0 : i32
      %dma_start3A_155 = arith.constant 0 : i32
      %dma_start3A_156 = tpu.memref_slice %arg10[%dma_start3A_153, %dma_start3A_154, %dma_start3A_155] : memref<8x8x129xf32, #tpu.memory_space<vmem>> -> memref<8x8x128xf32, #tpu.memory_space<vmem>>
      tpu.enqueue_dma source(%dma_start3A_156 : memref<8x8x128xf32, #tpu.memory_space<vmem>>) target(%dma_start3A_152 : memref<8x8x128xf32, #tpu.memory_space<hbm>>) target_semaphore(%arg16 : memref<!tpu.dma_semaphore, #tpu.memory_space<semaphore_mem>>)
      %add3A_157 = arith.constant 1 : i32
      %add3A_158 = arith.addi %mul3A_120, %add3A_157 : i32
      %add3A_159 = arith.constant 1 : i32
      %add3A_160 = arith.addi %add3A_158, %add3A_159 : i32
      %lt3A_161 = arith.constant 200 : i32
      %lt3A_162 = arith.cmpi slt, %add3A_160, %lt3A_161 : i32
      %convert_element_type3A_163 = arith.extui %lt3A_162 : i1 to i32
      %cond3A_164 = arith.constant 0 : i32
      %cond3A_165 = arith.cmpi ne, %convert_element_type3A_163, %cond3A_164 : i32
      scf.if %cond3A_165 {
        %ge3A = arith.constant 1 : i32
        %ge3A_196 = arith.cmpi sge, %add3A_158, %ge3A : i32
        %convert_element_type3A_197 = arith.extui %ge3A_196 : i1 to i32
        %cond3A_198 = arith.constant 0 : i32
        %cond3A_199 = arith.cmpi ne, %convert_element_type3A_197, %cond3A_198 : i32
        scf.if %cond3A_199 {
          %dma_wait3A_208 = arith.constant 0 : i32
          %dma_wait3A_209 = arith.constant 0 : i32
          %dma_wait3A_210 = arith.constant 0 : i32
          %dma_wait3A_211 = arith.constant 0 : i32
          %dma_wait3A_212 = tpu.memref_slice %arg10[%dma_wait3A_209, %dma_wait3A_210, %dma_wait3A_211] : memref<8x8x129xf32, #tpu.memory_space<vmem>> -> memref<8x8x128xf32, #tpu.memory_space<vmem>>
          %dma_wait3A_213 = arith.constant 0 : i32
          %dma_wait3A_214 = arith.constant 0 : i32
          %dma_wait3A_215 = arith.constant 0 : i32
          %dma_wait3A_216 = tpu.memref_slice %arg6[%dma_wait3A_208, %dma_wait3A_213, %add3A, %dma_wait3A_214, %dma_wait3A_215] : memref<200x8x32x8x128xf32, #tpu.memory_space<hbm>> -> memref<1x8x1x8x128xf32, #tpu.memory_space<hbm>>
          %dma_wait3A_217 = tpu.memref_squeeze %dma_wait3A_216 : memref<1x8x1x8x128xf32, #tpu.memory_space<hbm>> -> memref<8x8x128xf32, #tpu.memory_space<hbm>>
          %dma_wait3A_218 = arith.constant 0 : i32
          %dma_wait3A_219 = arith.constant 0 : i32
          %dma_wait3A_220 = arith.constant 0 : i32
          %dma_wait3A_221 = tpu.memref_slice %arg6[%dma_wait3A_208, %dma_wait3A_218, %add3A, %dma_wait3A_219, %dma_wait3A_220] : memref<200x8x32x8x128xf32, #tpu.memory_space<hbm>> -> memref<1x8x1x8x128xf32, #tpu.memory_space<hbm>>
          %dma_wait3A_222 = tpu.memref_squeeze %dma_wait3A_221 : memref<1x8x1x8x128xf32, #tpu.memory_space<hbm>> -> memref<8x8x128xf32, #tpu.memory_space<hbm>>
          %dma_wait3A_223 = arith.constant 0 : i32
          %dma_wait3A_224 = arith.constant 0 : i32
          %dma_wait3A_225 = arith.constant 0 : i32
          %dma_wait3A_226 = tpu.memref_slice %arg10[%dma_wait3A_223, %dma_wait3A_224, %dma_wait3A_225] : memref<8x8x129xf32, #tpu.memory_space<vmem>> -> memref<8x8x128xf32, #tpu.memory_space<vmem>>
          tpu.wait_dma2 semaphore(%arg16 : memref<!tpu.dma_semaphore, #tpu.memory_space<semaphore_mem>>) src(%dma_wait3A_226 : memref<8x8x128xf32, #tpu.memory_space<vmem>>) dst(%dma_wait3A_222 : memref<8x8x128xf32, #tpu.memory_space<hbm>>)
        } else {
        }
        %add3A_200 = arith.constant 1 : i32
        %add3A_201 = arith.addi %add3A_158, %add3A_200 : i32
        %dma_start3A_202 = arith.constant 0 : i32
        %dma_start3A_203 = tpu.memref_slice %arg7[%add3A_201, %dma_start3A_202] : memref<200x128xi32, #tpu.memory_space<vmem>> -> memref<1x128xi32, #tpu.memory_space<vmem>>
        %dma_start3A_204 = tpu.memref_squeeze %dma_start3A_203 : memref<1x128xi32, #tpu.memory_space<vmem>> -> memref<128xi32, #tpu.memory_space<vmem>>
        %dma_start3A_205 = arith.constant 0 : i32
        %dma_start3A_206 = arith.constant 0 : i32
        %dma_start3A_207 = tpu.memref_slice %arg3[%dma_start3A_205, %dma_start3A_206] : memref<1000000x128xf32, #tpu.memory_space<hbm>> -> memref<1000000x128xf32, #tpu.memory_space<hbm>>
        tpu.enqueue_indirect_dma source(%dma_start3A_207 : memref<1000000x128xf32, #tpu.memory_space<hbm>>) target(%arg8 : memref<128x128xf32, #tpu.memory_space<vmem>>) offsets(%dma_start3A_204 : memref<128xi32, #tpu.memory_space<vmem>>) semaphore(%arg14 : memref<!tpu.dma_semaphore, #tpu.memory_space<semaphore_mem>>)
      } else {
      }
      %dma_wait3A_166 = arith.constant 0 : i32
      %dma_wait3A_167 = arith.constant 0 : i32
      %dma_wait3A_168 = tpu.memref_slice %arg3[%dma_wait3A_166, %dma_wait3A_167] : memref<1000000x128xf32, #tpu.memory_space<hbm>> -> memref<128x128xf32, #tpu.memory_space<hbm>>
      %dma_wait3A_169 = arith.constant 0 : i32
      %dma_wait3A_170 = arith.constant 0 : i32
      %dma_wait3A_171 = tpu.memref_slice %arg3[%dma_wait3A_169, %dma_wait3A_170] : memref<1000000x128xf32, #tpu.memory_space<hbm>> -> memref<128x128xf32, #tpu.memory_space<hbm>>
      tpu.wait_dma2 semaphore(%arg15 : memref<!tpu.dma_semaphore, #tpu.memory_space<semaphore_mem>>) src(%dma_wait3A_171 : memref<128x128xf32, #tpu.memory_space<hbm>>) dst(%arg9 : memref<128x128xf32, #tpu.memory_space<vmem>>)
      %scan3A_172 = arith.constant 0 : i32
      %scan3A_173 = arith.constant 128 : i32
      %scan3A_174 = arith.addi %scan3A_172, %scan3A_173 : i32
      %scan3A_175 = arith.constant 8 : i32
      %scan3A_176 = scf.for %scan3A_196 = %scan3A_172 to %scan3A_174 step %scan3A_175 iter_args(%scan3A_197 = %get3A_63) -> (vector<16xi32>)  : i32 {
        %get3A_198 = arith.index_cast %scan3A_196 : i32 to index
        %get3A_199 = arith.constant 0 : index
        %get3A_200 = tpu.vector_load %arg9[%get3A_198, %get3A_199] {strides = array<i32>} : memref<128x128xf32, #tpu.memory_space<vmem>>, vector<16xf32>,
        %add3A_201 = arith.addf %get3A_200, %get3A_3 : vector<16xf32>
        tpu.vector_store_idx %arg11[%get3A_15, %get3A_21, %scan3A_197], %add3A_201 : memref<8x8x129xf32, #tpu.memory_space<vmem>>[vector<16xi32>, vector<16xi32>, vector<16xi32>], vector<16xf32>,
        %get3A_202 = arith.index_cast %scan3A_196 : i32 to index
        %get3A_203 = arith.constant 16 : index
        %get3A_204 = tpu.vector_load %arg9[%get3A_202, %get3A_203] {strides = array<i32>} : memref<128x128xf32, #tpu.memory_space<vmem>>, vector<16xf32>,
        %add3A_205 = arith.addf %get3A_204, %get3A_5 : vector<16xf32>
        tpu.vector_store_idx %arg11[%get3A_27, %get3A_33, %scan3A_197], %add3A_205 : memref<8x8x129xf32, #tpu.memory_space<vmem>>[vector<16xi32>, vector<16xi32>, vector<16xi32>], vector<16xf32>,
        %get3A_206 = arith.index_cast %scan3A_196 : i32 to index
        %get3A_207 = arith.constant 32 : index
        %get3A_208 = tpu.vector_load %arg9[%get3A_206, %get3A_207] {strides = array<i32>} : memref<128x128xf32, #tpu.memory_space<vmem>>, vector<16xf32>,
        %add3A_209 = arith.addf %get3A_208, %get3A_7 : vector<16xf32>
        tpu.vector_store_idx %arg11[%get3A_39, %get3A_45, %scan3A_197], %add3A_209 : memref<8x8x129xf32, #tpu.memory_space<vmem>>[vector<16xi32>, vector<16xi32>, vector<16xi32>], vector<16xf32>,
        %get3A_210 = arith.index_cast %scan3A_196 : i32 to index
        %get3A_211 = arith.constant 48 : index
        %get3A_212 = tpu.vector_load %arg9[%get3A_210, %get3A_211] {strides = array<i32>} : memref<128x128xf32, #tpu.memory_space<vmem>>, vector<16xf32>,
        %add3A_213 = arith.addf %get3A_212, %get3A_9 : vector<16xf32>
        tpu.vector_store_idx %arg11[%get3A_51, %get3A_57, %scan3A_197], %add3A_213 : memref<8x8x129xf32, #tpu.memory_space<vmem>>[vector<16xi32>, vector<16xi32>, vector<16xi32>], vector<16xf32>,
        %add3A_214 = arith.addi %scan3A_197, %get3A_69 : vector<16xi32>
        %scan3A_215 = arith.constant 1 : i32
        %scan3A_216 = arith.addi %scan3A_196, %scan3A_215 : i32
        %get3A_217 = arith.index_cast %scan3A_216 : i32 to index
        %get3A_218 = arith.constant 0 : index
        %get3A_219 = tpu.vector_load %arg9[%get3A_217, %get3A_218] {strides = array<i32>} : memref<128x128xf32, #tpu.memory_space<vmem>>, vector<16xf32>,
        %add3A_220 = arith.addf %get3A_219, %get3A_3 : vector<16xf32>
        tpu.vector_store_idx %arg11[%get3A_15, %get3A_21, %add3A_214], %add3A_220 : memref<8x8x129xf32, #tpu.memory_space<vmem>>[vector<16xi32>, vector<16xi32>, vector<16xi32>], vector<16xf32>,
        %get3A_221 = arith.index_cast %scan3A_216 : i32 to index
        %get3A_222 = arith.constant 16 : index
        %get3A_223 = tpu.vector_load %arg9[%get3A_221, %get3A_222] {strides = array<i32>} : memref<128x128xf32, #tpu.memory_space<vmem>>, vector<16xf32>,
        %add3A_224 = arith.addf %get3A_223, %get3A_5 : vector<16xf32>
        tpu.vector_store_idx %arg11[%get3A_27, %get3A_33, %add3A_214], %add3A_224 : memref<8x8x129xf32, #tpu.memory_space<vmem>>[vector<16xi32>, vector<16xi32>, vector<16xi32>], vector<16xf32>,
        %get3A_225 = arith.index_cast %scan3A_216 : i32 to index
        %get3A_226 = arith.constant 32 : index
        %get3A_227 = tpu.vector_load %arg9[%get3A_225, %get3A_226] {strides = array<i32>} : memref<128x128xf32, #tpu.memory_space<vmem>>, vector<16xf32>,
        %add3A_228 = arith.addf %get3A_227, %get3A_7 : vector<16xf32>
        tpu.vector_store_idx %arg11[%get3A_39, %get3A_45, %add3A_214], %add3A_228 : memref<8x8x129xf32, #tpu.memory_space<vmem>>[vector<16xi32>, vector<16xi32>, vector<16xi32>], vector<16xf32>,
        %get3A_229 = arith.index_cast %scan3A_216 : i32 to index
        %get3A_230 = arith.constant 48 : index
        %get3A_231 = tpu.vector_load %arg9[%get3A_229, %get3A_230] {strides = array<i32>} : memref<128x128xf32, #tpu.memory_space<vmem>>, vector<16xf32>,
        %add3A_232 = arith.addf %get3A_231, %get3A_9 : vector<16xf32>
        tpu.vector_store_idx %arg11[%get3A_51, %get3A_57, %add3A_214], %add3A_232 : memref<8x8x129xf32, #tpu.memory_space<vmem>>[vector<16xi32>, vector<16xi32>, vector<16xi32>], vector<16xf32>,
        %add3A_233 = arith.addi %add3A_214, %get3A_69 : vector<16xi32>
        %scan3A_234 = arith.constant 2 : i32
        %scan3A_235 = arith.addi %scan3A_196, %scan3A_234 : i32
        %get3A_236 = arith.index_cast %scan3A_235 : i32 to index
        %get3A_237 = arith.constant 0 : index
        %get3A_238 = tpu.vector_load %arg9[%get3A_236, %get3A_237] {strides = array<i32>} : memref<128x128xf32, #tpu.memory_space<vmem>>, vector<16xf32>,
        %add3A_239 = arith.addf %get3A_238, %get3A_3 : vector<16xf32>
        tpu.vector_store_idx %arg11[%get3A_15, %get3A_21, %add3A_233], %add3A_239 : memref<8x8x129xf32, #tpu.memory_space<vmem>>[vector<16xi32>, vector<16xi32>, vector<16xi32>], vector<16xf32>,
        %get3A_240 = arith.index_cast %scan3A_235 : i32 to index
        %get3A_241 = arith.constant 16 : index
        %get3A_242 = tpu.vector_load %arg9[%get3A_240, %get3A_241] {strides = array<i32>} : memref<128x128xf32, #tpu.memory_space<vmem>>, vector<16xf32>,
        %add3A_243 = arith.addf %get3A_242, %get3A_5 : vector<16xf32>
        tpu.vector_store_idx %arg11[%get3A_27, %get3A_33, %add3A_233], %add3A_243 : memref<8x8x129xf32, #tpu.memory_space<vmem>>[vector<16xi32>, vector<16xi32>, vector<16xi32>], vector<16xf32>,
        %get3A_244 = arith.index_cast %scan3A_235 : i32 to index
        %get3A_245 = arith.constant 32 : index
        %get3A_246 = tpu.vector_load %arg9[%get3A_244, %get3A_245] {strides = array<i32>} : memref<128x128xf32, #tpu.memory_space<vmem>>, vector<16xf32>,
        %add3A_247 = arith.addf %get3A_246, %get3A_7 : vector<16xf32>
        tpu.vector_store_idx %arg11[%get3A_39, %get3A_45, %add3A_233], %add3A_247 : memref<8x8x129xf32, #tpu.memory_space<vmem>>[vector<16xi32>, vector<16xi32>, vector<16xi32>], vector<16xf32>,
        %get3A_248 = arith.index_cast %scan3A_235 : i32 to index
        %get3A_249 = arith.constant 48 : index
        %get3A_250 = tpu.vector_load %arg9[%get3A_248, %get3A_249] {strides = array<i32>} : memref<128x128xf32, #tpu.memory_space<vmem>>, vector<16xf32>,
        %add3A_251 = arith.addf %get3A_250, %get3A_9 : vector<16xf32>
        tpu.vector_store_idx %arg11[%get3A_51, %get3A_57, %add3A_233], %add3A_251 : memref<8x8x129xf32, #tpu.memory_space<vmem>>[vector<16xi32>, vector<16xi32>, vector<16xi32>], vector<16xf32>,
        %add3A_252 = arith.addi %add3A_233, %get3A_69 : vector<16xi32>
        %scan3A_253 = arith.constant 3 : i32
        %scan3A_254 = arith.addi %scan3A_196, %scan3A_253 : i32
        %get3A_255 = arith.index_cast %scan3A_254 : i32 to index
        %get3A_256 = arith.constant 0 : index
        %get3A_257 = tpu.vector_load %arg9[%get3A_255, %get3A_256] {strides = array<i32>} : memref<128x128xf32, #tpu.memory_space<vmem>>, vector<16xf32>,
        %add3A_258 = arith.addf %get3A_257, %get3A_3 : vector<16xf32>
        tpu.vector_store_idx %arg11[%get3A_15, %get3A_21, %add3A_252], %add3A_258 : memref<8x8x129xf32, #tpu.memory_space<vmem>>[vector<16xi32>, vector<16xi32>, vector<16xi32>], vector<16xf32>,
        %get3A_259 = arith.index_cast %scan3A_254 : i32 to index
        %get3A_260 = arith.constant 16 : index
        %get3A_261 = tpu.vector_load %arg9[%get3A_259, %get3A_260] {strides = array<i32>} : memref<128x128xf32, #tpu.memory_space<vmem>>, vector<16xf32>,
        %add3A_262 = arith.addf %get3A_261, %get3A_5 : vector<16xf32>
        tpu.vector_store_idx %arg11[%get3A_27, %get3A_33, %add3A_252], %add3A_262 : memref<8x8x129xf32, #tpu.memory_space<vmem>>[vector<16xi32>, vector<16xi32>, vector<16xi32>], vector<16xf32>,
        %get3A_263 = arith.index_cast %scan3A_254 : i32 to index
        %get3A_264 = arith.constant 32 : index
        %get3A_265 = tpu.vector_load %arg9[%get3A_263, %get3A_264] {strides = array<i32>} : memref<128x128xf32, #tpu.memory_space<vmem>>, vector<16xf32>,
        %add3A_266 = arith.addf %get3A_265, %get3A_7 : vector<16xf32>
        tpu.vector_store_idx %arg11[%get3A_39, %get3A_45, %add3A_252], %add3A_266 : memref<8x8x129xf32, #tpu.memory_space<vmem>>[vector<16xi32>, vector<16xi32>, vector<16xi32>], vector<16xf32>,
        %get3A_267 = arith.index_cast %scan3A_254 : i32 to index
        %get3A_268 = arith.constant 48 : index
        %get3A_269 = tpu.vector_load %arg9[%get3A_267, %get3A_268] {strides = array<i32>} : memref<128x128xf32, #tpu.memory_space<vmem>>, vector<16xf32>,
        %add3A_270 = arith.addf %get3A_269, %get3A_9 : vector<16xf32>
        tpu.vector_store_idx %arg11[%get3A_51, %get3A_57, %add3A_252], %add3A_270 : memref<8x8x129xf32, #tpu.memory_space<vmem>>[vector<16xi32>, vector<16xi32>, vector<16xi32>], vector<16xf32>,
        %add3A_271 = arith.addi %add3A_252, %get3A_69 : vector<16xi32>
        %scan3A_272 = arith.constant 4 : i32
        %scan3A_273 = arith.addi %scan3A_196, %scan3A_272 : i32
        %get3A_274 = arith.index_cast %scan3A_273 : i32 to index
        %get3A_275 = arith.constant 0 : index
        %get3A_276 = tpu.vector_load %arg9[%get3A_274, %get3A_275] {strides = array<i32>} : memref<128x128xf32, #tpu.memory_space<vmem>>, vector<16xf32>,
        %add3A_277 = arith.addf %get3A_276, %get3A_3 : vector<16xf32>
        tpu.vector_store_idx %arg11[%get3A_15, %get3A_21, %add3A_271], %add3A_277 : memref<8x8x129xf32, #tpu.memory_space<vmem>>[vector<16xi32>, vector<16xi32>, vector<16xi32>], vector<16xf32>,
        %get3A_278 = arith.index_cast %scan3A_273 : i32 to index
        %get3A_279 = arith.constant 16 : index
        %get3A_280 = tpu.vector_load %arg9[%get3A_278, %get3A_279] {strides = array<i32>} : memref<128x128xf32, #tpu.memory_space<vmem>>, vector<16xf32>,
        %add3A_281 = arith.addf %get3A_280, %get3A_5 : vector<16xf32>
        tpu.vector_store_idx %arg11[%get3A_27, %get3A_33, %add3A_271], %add3A_281 : memref<8x8x129xf32, #tpu.memory_space<vmem>>[vector<16xi32>, vector<16xi32>, vector<16xi32>], vector<16xf32>,
        %get3A_282 = arith.index_cast %scan3A_273 : i32 to index
        %get3A_283 = arith.constant 32 : index
        %get3A_284 = tpu.vector_load %arg9[%get3A_282, %get3A_283] {strides = array<i32>} : memref<128x128xf32, #tpu.memory_space<vmem>>, vector<16xf32>,
        %add3A_285 = arith.addf %get3A_284, %get3A_7 : vector<16xf32>
        tpu.vector_store_idx %arg11[%get3A_39, %get3A_45, %add3A_271], %add3A_285 : memref<8x8x129xf32, #tpu.memory_space<vmem>>[vector<16xi32>, vector<16xi32>, vector<16xi32>], vector<16xf32>,
        %get3A_286 = arith.index_cast %scan3A_273 : i32 to index
        %get3A_287 = arith.constant 48 : index
        %get3A_288 = tpu.vector_load %arg9[%get3A_286, %get3A_287] {strides = array<i32>} : memref<128x128xf32, #tpu.memory_space<vmem>>, vector<16xf32>,
        %add3A_289 = arith.addf %get3A_288, %get3A_9 : vector<16xf32>
        tpu.vector_store_idx %arg11[%get3A_51, %get3A_57, %add3A_271], %add3A_289 : memref<8x8x129xf32, #tpu.memory_space<vmem>>[vector<16xi32>, vector<16xi32>, vector<16xi32>], vector<16xf32>,
        %add3A_290 = arith.addi %add3A_271, %get3A_69 : vector<16xi32>
        %scan3A_291 = arith.constant 5 : i32
        %scan3A_292 = arith.addi %scan3A_196, %scan3A_291 : i32
        %get3A_293 = arith.index_cast %scan3A_292 : i32 to index
        %get3A_294 = arith.constant 0 : index
        %get3A_295 = tpu.vector_load %arg9[%get3A_293, %get3A_294] {strides = array<i32>} : memref<128x128xf32, #tpu.memory_space<vmem>>, vector<16xf32>,
        %add3A_296 = arith.addf %get3A_295, %get3A_3 : vector<16xf32>
        tpu.vector_store_idx %arg11[%get3A_15, %get3A_21, %add3A_290], %add3A_296 : memref<8x8x129xf32, #tpu.memory_space<vmem>>[vector<16xi32>, vector<16xi32>, vector<16xi32>], vector<16xf32>,
        %get3A_297 = arith.index_cast %scan3A_292 : i32 to index
        %get3A_298 = arith.constant 16 : index
        %get3A_299 = tpu.vector_load %arg9[%get3A_297, %get3A_298] {strides = array<i32>} : memref<128x128xf32, #tpu.memory_space<vmem>>, vector<16xf32>,
        %add3A_300 = arith.addf %get3A_299, %get3A_5 : vector<16xf32>
        tpu.vector_store_idx %arg11[%get3A_27, %get3A_33, %add3A_290], %add3A_300 : memref<8x8x129xf32, #tpu.memory_space<vmem>>[vector<16xi32>, vector<16xi32>, vector<16xi32>], vector<16xf32>,
        %get3A_301 = arith.index_cast %scan3A_292 : i32 to index
        %get3A_302 = arith.constant 32 : index
        %get3A_303 = tpu.vector_load %arg9[%get3A_301, %get3A_302] {strides = array<i32>} : memref<128x128xf32, #tpu.memory_space<vmem>>, vector<16xf32>,
        %add3A_304 = arith.addf %get3A_303, %get3A_7 : vector<16xf32>
        tpu.vector_store_idx %arg11[%get3A_39, %get3A_45, %add3A_290], %add3A_304 : memref<8x8x129xf32, #tpu.memory_space<vmem>>[vector<16xi32>, vector<16xi32>, vector<16xi32>], vector<16xf32>,
        %get3A_305 = arith.index_cast %scan3A_292 : i32 to index
        %get3A_306 = arith.constant 48 : index
        %get3A_307 = tpu.vector_load %arg9[%get3A_305, %get3A_306] {strides = array<i32>} : memref<128x128xf32, #tpu.memory_space<vmem>>, vector<16xf32>,
        %add3A_308 = arith.addf %get3A_307, %get3A_9 : vector<16xf32>
        tpu.vector_store_idx %arg11[%get3A_51, %get3A_57, %add3A_290], %add3A_308 : memref<8x8x129xf32, #tpu.memory_space<vmem>>[vector<16xi32>, vector<16xi32>, vector<16xi32>], vector<16xf32>,
        %add3A_309 = arith.addi %add3A_290, %get3A_69 : vector<16xi32>
        %scan3A_310 = arith.constant 6 : i32
        %scan3A_311 = arith.addi %scan3A_196, %scan3A_310 : i32
        %get3A_312 = arith.index_cast %scan3A_311 : i32 to index
        %get3A_313 = arith.constant 0 : index
        %get3A_314 = tpu.vector_load %arg9[%get3A_312, %get3A_313] {strides = array<i32>} : memref<128x128xf32, #tpu.memory_space<vmem>>, vector<16xf32>,
        %add3A_315 = arith.addf %get3A_314, %get3A_3 : vector<16xf32>
        tpu.vector_store_idx %arg11[%get3A_15, %get3A_21, %add3A_309], %add3A_315 : memref<8x8x129xf32, #tpu.memory_space<vmem>>[vector<16xi32>, vector<16xi32>, vector<16xi32>], vector<16xf32>,
        %get3A_316 = arith.index_cast %scan3A_311 : i32 to index
        %get3A_317 = arith.constant 16 : index
        %get3A_318 = tpu.vector_load %arg9[%get3A_316, %get3A_317] {strides = array<i32>} : memref<128x128xf32, #tpu.memory_space<vmem>>, vector<16xf32>,
        %add3A_319 = arith.addf %get3A_318, %get3A_5 : vector<16xf32>
        tpu.vector_store_idx %arg11[%get3A_27, %get3A_33, %add3A_309], %add3A_319 : memref<8x8x129xf32, #tpu.memory_space<vmem>>[vector<16xi32>, vector<16xi32>, vector<16xi32>], vector<16xf32>,
        %get3A_320 = arith.index_cast %scan3A_311 : i32 to index
        %get3A_321 = arith.constant 32 : index
        %get3A_322 = tpu.vector_load %arg9[%get3A_320, %get3A_321] {strides = array<i32>} : memref<128x128xf32, #tpu.memory_space<vmem>>, vector<16xf32>,
        %add3A_323 = arith.addf %get3A_322, %get3A_7 : vector<16xf32>
        tpu.vector_store_idx %arg11[%get3A_39, %get3A_45, %add3A_309], %add3A_323 : memref<8x8x129xf32, #tpu.memory_space<vmem>>[vector<16xi32>, vector<16xi32>, vector<16xi32>], vector<16xf32>,
        %get3A_324 = arith.index_cast %scan3A_311 : i32 to index
        %get3A_325 = arith.constant 48 : index
        %get3A_326 = tpu.vector_load %arg9[%get3A_324, %get3A_325] {strides = array<i32>} : memref<128x128xf32, #tpu.memory_space<vmem>>, vector<16xf32>,
        %add3A_327 = arith.addf %get3A_326, %get3A_9 : vector<16xf32>
        tpu.vector_store_idx %arg11[%get3A_51, %get3A_57, %add3A_309], %add3A_327 : memref<8x8x129xf32, #tpu.memory_space<vmem>>[vector<16xi32>, vector<16xi32>, vector<16xi32>], vector<16xf32>,
        %add3A_328 = arith.addi %add3A_309, %get3A_69 : vector<16xi32>
        %scan3A_329 = arith.constant 7 : i32
        %scan3A_330 = arith.addi %scan3A_196, %scan3A_329 : i32
        %get3A_331 = arith.index_cast %scan3A_330 : i32 to index
        %get3A_332 = arith.constant 0 : index
        %get3A_333 = tpu.vector_load %arg9[%get3A_331, %get3A_332] {strides = array<i32>} : memref<128x128xf32, #tpu.memory_space<vmem>>, vector<16xf32>,
        %add3A_334 = arith.addf %get3A_333, %get3A_3 : vector<16xf32>
        tpu.vector_store_idx %arg11[%get3A_15, %get3A_21, %add3A_328], %add3A_334 : memref<8x8x129xf32, #tpu.memory_space<vmem>>[vector<16xi32>, vector<16xi32>, vector<16xi32>], vector<16xf32>,
        %get3A_335 = arith.index_cast %scan3A_330 : i32 to index
        %get3A_336 = arith.constant 16 : index
        %get3A_337 = tpu.vector_load %arg9[%get3A_335, %get3A_336] {strides = array<i32>} : memref<128x128xf32, #tpu.memory_space<vmem>>, vector<16xf32>,
        %add3A_338 = arith.addf %get3A_337, %get3A_5 : vector<16xf32>
        tpu.vector_store_idx %arg11[%get3A_27, %get3A_33, %add3A_328], %add3A_338 : memref<8x8x129xf32, #tpu.memory_space<vmem>>[vector<16xi32>, vector<16xi32>, vector<16xi32>], vector<16xf32>,
        %get3A_339 = arith.index_cast %scan3A_330 : i32 to index
        %get3A_340 = arith.constant 32 : index
        %get3A_341 = tpu.vector_load %arg9[%get3A_339, %get3A_340] {strides = array<i32>} : memref<128x128xf32, #tpu.memory_space<vmem>>, vector<16xf32>,
        %add3A_342 = arith.addf %get3A_341, %get3A_7 : vector<16xf32>
        tpu.vector_store_idx %arg11[%get3A_39, %get3A_45, %add3A_328], %add3A_342 : memref<8x8x129xf32, #tpu.memory_space<vmem>>[vector<16xi32>, vector<16xi32>, vector<16xi32>], vector<16xf32>,
        %get3A_343 = arith.index_cast %scan3A_330 : i32 to index
        %get3A_344 = arith.constant 48 : index
        %get3A_345 = tpu.vector_load %arg9[%get3A_343, %get3A_344] {strides = array<i32>} : memref<128x128xf32, #tpu.memory_space<vmem>>, vector<16xf32>,
        %add3A_346 = arith.addf %get3A_345, %get3A_9 : vector<16xf32>
        tpu.vector_store_idx %arg11[%get3A_51, %get3A_57, %add3A_328], %add3A_346 : memref<8x8x129xf32, #tpu.memory_space<vmem>>[vector<16xi32>, vector<16xi32>, vector<16xi32>], vector<16xf32>,
        %add3A_347 = arith.addi %add3A_328, %get3A_69 : vector<16xi32>
        scf.yield %add3A_347 : vector<16xi32>
      }
      %scan3A_177 = arith.constant 128 : i32
      %dma_start3A_178 = arith.constant 0 : i32
      %dma_start3A_179 = arith.constant 0 : i32
      %dma_start3A_180 = arith.constant 0 : i32
      %dma_start3A_181 = tpu.memref_slice %arg11[%dma_start3A_178, %dma_start3A_179, %dma_start3A_180] : memref<8x8x129xf32, #tpu.memory_space<vmem>> -> memref<8x8x128xf32, #tpu.memory_space<vmem>>
      %dma_start3A_182 = arith.constant 0 : i32
      %dma_start3A_183 = arith.constant 0 : i32
      %dma_start3A_184 = arith.constant 0 : i32
      %dma_start3A_185 = tpu.memref_slice %arg6[%add3A_158, %dma_start3A_182, %add3A, %dma_start3A_183, %dma_start3A_184] : memref<200x8x32x8x128xf32, #tpu.memory_space<hbm>> -> memref<1x8x1x8x128xf32, #tpu.memory_space<hbm>>
      %dma_start3A_186 = tpu.memref_squeeze %dma_start3A_185 : memref<1x8x1x8x128xf32, #tpu.memory_space<hbm>> -> memref<8x8x128xf32, #tpu.memory_space<hbm>>
      %dma_start3A_187 = arith.constant 0 : i32
      %dma_start3A_188 = arith.constant 0 : i32
      %dma_start3A_189 = arith.constant 0 : i32
      %dma_start3A_190 = tpu.memref_slice %arg6[%add3A_158, %dma_start3A_187, %add3A, %dma_start3A_188, %dma_start3A_189] : memref<200x8x32x8x128xf32, #tpu.memory_space<hbm>> -> memref<1x8x1x8x128xf32, #tpu.memory_space<hbm>>
      %dma_start3A_191 = tpu.memref_squeeze %dma_start3A_190 : memref<1x8x1x8x128xf32, #tpu.memory_space<hbm>> -> memref<8x8x128xf32, #tpu.memory_space<hbm>>
      %dma_start3A_192 = arith.constant 0 : i32
      %dma_start3A_193 = arith.constant 0 : i32
      %dma_start3A_194 = arith.constant 0 : i32
      %dma_start3A_195 = tpu.memref_slice %arg11[%dma_start3A_192, %dma_start3A_193, %dma_start3A_194] : memref<8x8x129xf32, #tpu.memory_space<vmem>> -> memref<8x8x128xf32, #tpu.memory_space<vmem>>
      tpu.enqueue_dma source(%dma_start3A_195 : memref<8x8x128xf32, #tpu.memory_space<vmem>>) target(%dma_start3A_191 : memref<8x8x128xf32, #tpu.memory_space<hbm>>) target_semaphore(%arg17 : memref<!tpu.dma_semaphore, #tpu.memory_space<semaphore_mem>>)
    }
    %scan3A_80 = arith.constant 100 : i32
    %dma_wait3A = arith.constant 0 : i32
    %dma_wait3A_81 = arith.constant 0 : i32
    %dma_wait3A_82 = arith.constant 0 : i32
    %dma_wait3A_83 = arith.constant 0 : i32
    %dma_wait3A_84 = tpu.memref_slice %arg10[%dma_wait3A_81, %dma_wait3A_82, %dma_wait3A_83] : memref<8x8x129xf32, #tpu.memory_space<vmem>> -> memref<8x8x128xf32, #tpu.memory_space<vmem>>
    %dma_wait3A_85 = arith.constant 0 : i32
    %dma_wait3A_86 = arith.constant 0 : i32
    %dma_wait3A_87 = arith.constant 0 : i32
    %dma_wait3A_88 = tpu.memref_slice %arg6[%dma_wait3A, %dma_wait3A_85, %add3A, %dma_wait3A_86, %dma_wait3A_87] : memref<200x8x32x8x128xf32, #tpu.memory_space<hbm>> -> memref<1x8x1x8x128xf32, #tpu.memory_space<hbm>>
    %dma_wait3A_89 = tpu.memref_squeeze %dma_wait3A_88 : memref<1x8x1x8x128xf32, #tpu.memory_space<hbm>> -> memref<8x8x128xf32, #tpu.memory_space<hbm>>
    %dma_wait3A_90 = arith.constant 0 : i32
    %dma_wait3A_91 = arith.constant 0 : i32
    %dma_wait3A_92 = arith.constant 0 : i32
    %dma_wait3A_93 = tpu.memref_slice %arg6[%dma_wait3A, %dma_wait3A_90, %add3A, %dma_wait3A_91, %dma_wait3A_92] : memref<200x8x32x8x128xf32, #tpu.memory_space<hbm>> -> memref<1x8x1x8x128xf32, #tpu.memory_space<hbm>>
    %dma_wait3A_94 = tpu.memref_squeeze %dma_wait3A_93 : memref<1x8x1x8x128xf32, #tpu.memory_space<hbm>> -> memref<8x8x128xf32, #tpu.memory_space<hbm>>
    %dma_wait3A_95 = arith.constant 0 : i32
    %dma_wait3A_96 = arith.constant 0 : i32
    %dma_wait3A_97 = arith.constant 0 : i32
    %dma_wait3A_98 = tpu.memref_slice %arg10[%dma_wait3A_95, %dma_wait3A_96, %dma_wait3A_97] : memref<8x8x129xf32, #tpu.memory_space<vmem>> -> memref<8x8x128xf32, #tpu.memory_space<vmem>>
    tpu.wait_dma2 semaphore(%arg16 : memref<!tpu.dma_semaphore, #tpu.memory_space<semaphore_mem>>) src(%dma_wait3A_98 : memref<8x8x128xf32, #tpu.memory_space<vmem>>) dst(%dma_wait3A_94 : memref<8x8x128xf32, #tpu.memory_space<hbm>>)
    %dma_wait3A_99 = arith.constant 0 : i32
    %dma_wait3A_100 = arith.constant 0 : i32
    %dma_wait3A_101 = arith.constant 0 : i32
    %dma_wait3A_102 = arith.constant 0 : i32
    %dma_wait3A_103 = tpu.memref_slice %arg11[%dma_wait3A_100, %dma_wait3A_101, %dma_wait3A_102] : memref<8x8x129xf32, #tpu.memory_space<vmem>> -> memref<8x8x128xf32, #tpu.memory_space<vmem>>
    %dma_wait3A_104 = arith.constant 0 : i32
    %dma_wait3A_105 = arith.constant 0 : i32
    %dma_wait3A_106 = arith.constant 0 : i32
    %dma_wait3A_107 = tpu.memref_slice %arg6[%dma_wait3A_99, %dma_wait3A_104, %add3A, %dma_wait3A_105, %dma_wait3A_106] : memref<200x8x32x8x128xf32, #tpu.memory_space<hbm>> -> memref<1x8x1x8x128xf32, #tpu.memory_space<hbm>>
    %dma_wait3A_108 = tpu.memref_squeeze %dma_wait3A_107 : memref<1x8x1x8x128xf32, #tpu.memory_space<hbm>> -> memref<8x8x128xf32, #tpu.memory_space<hbm>>
    %dma_wait3A_109 = arith.constant 0 : i32
    %dma_wait3A_110 = arith.constant 0 : i32
    %dma_wait3A_111 = arith.constant 0 : i32
    %dma_wait3A_112 = tpu.memref_slice %arg6[%dma_wait3A_99, %dma_wait3A_109, %add3A, %dma_wait3A_110, %dma_wait3A_111] : memref<200x8x32x8x128xf32, #tpu.memory_space<hbm>> -> memref<1x8x1x8x128xf32, #tpu.memory_space<hbm>>
    %dma_wait3A_113 = tpu.memref_squeeze %dma_wait3A_112 : memref<1x8x1x8x128xf32, #tpu.memory_space<hbm>> -> memref<8x8x128xf32, #tpu.memory_space<hbm>>
    %dma_wait3A_114 = arith.constant 0 : i32
    %dma_wait3A_115 = arith.constant 0 : i32
    %dma_wait3A_116 = arith.constant 0 : i32
    %dma_wait3A_117 = tpu.memref_slice %arg11[%dma_wait3A_114, %dma_wait3A_115, %dma_wait3A_116] : memref<8x8x129xf32, #tpu.memory_space<vmem>> -> memref<8x8x128xf32, #tpu.memory_space<vmem>>
    tpu.wait_dma2 semaphore(%arg17 : memref<!tpu.dma_semaphore, #tpu.memory_space<semaphore_mem>>) src(%dma_wait3A_117 : memref<8x8x128xf32, #tpu.memory_space<vmem>>) dst(%dma_wait3A_113 : memref<8x8x128xf32, #tpu.memory_space<hbm>>)
    return
  }
}

</mosaic_0001>

<sc_bundles>
// kernel: kernel.3.cloned.1.call-start
scs
__scs_entry_jumppad:
0x0: {  	(pc) =	sbr.rel $0x88, $3  }
0x1: {  	(tag) =	ssettag $0x0;
	lr =	simm.s32 $0x1  }
0x2: {  	[smem:$0x3F9E] =	sst lr;
	_ =	strace $0xD0000000  }
0x3: {  	_ = 	snop  }
0x4: {  	_ = 	snop  }
0x5: {  	_ = 	snop  }
0x6: {  	_ = 	snop  }
0x7: {  	_ = 	snop  }
__scs_overlays_trampoline_lowered:
0x8: {  	[smem:$0x3FAD] =	sst s0  }
0x9: {  	[smem:$0x3FAE] =	sst s1  }
0xa: {  	[smem:$0x3FAF] =	sst s2  }
0xb: {  	[smem:$0x3FB0] =	sst s3  }
0xc: {  	[smem:$0x3FB1] =	sst s4  }
0xd: {  	[smem:$0x3FB2] =	sst s5  }
0xe: {  	[smem:$0x3FB3] =	sst s6  }
0xf: {  	[smem:$0x3FB4] =	sst s7  }
0x10: {  	[smem:$0x3FB5] =	sst s8  }
0x11: {  	[smem:$0x3FB6] =	sst s9;
	s0 =	simm.s32 @!p0 $0x0  }
0x12: {  	s1 =	sld [smem:$0x3F9C];
	s0 =	simm.s32 @p0 $0x1  }
0x13: {  	[smem:$0x3FB7] =	sst s0;
	s0 =	simm.s32 @!p1 $0x0  }
0x14: {  	s2 =	sld [smem:$0x3F9B];
	s0 =	simm.s32 @p1 $0x1  }
0x15: {  	[smem:$0x3FB8] =	sst s0;
	s0 =	simm.s32 @!p2 $0x0  }
0x16: {  	s3 =	sld [smem:$0x3FDB];
	s0 =	simm.s32 @p2 $0x1  }
0x17: {  	s4 =	simm.s32 $0x1BF5;
	[smem:$0x3FBA] =	sst s0  }
0x18: {  	s0 =	sld [smem:$0x3F9D];
	_ =	swait.ge [sflag:s4], $0x0  }
0x19: {  	s7 =	sld [smem:$0x3F9E]  }
0x1a: {  	s8 =	sadd.s32 $0xFFFFE003, lr  }
0x1b: {  	s9 =	sadd.s32 $0xFFFFFEF7, lr;
	s5 =	simm.s32 $0xFFFFFFFF;
	p2 =	slt.u32 s8, $0xFFFFF086  }
0x1c: {  	p1 =	slt.u32 s9, $0xF7A;
	s5 =	simm.s32 @!p2 $0x0  }
0x1d: {  	s5 =	simm.s32 @p1 $0x1;
	p0 =	seq.s32 s7, s2  }
0x1e: {  	s7 =	smul.u32 @!p0 $0xF7A, s2;
	p2 =	seq.s32 @!p0 s5, $0x0  }
0x1f: {  	s9 =	smul.u32 $0xF7A, s1;
	s8 =	simm.s32 @!p0 $0x1BF5;
	p2 =	por !p2, p0  }
0x20: {  	[sflag:s8] =	ssyncset.s32 @!p0 $0xFFFFF086;
	s6 =	sadd.s32 @!p0 s3, s7;
	s7 =	simm.s32 @!p0 $0x108  }
0x21: {  	s3 =	sadd.s32 s3, s9;
	s6 =	sadd.s32 @!p0 $0x88, s6;
	s7 =	simm.s32 @p2 $0x1082  }
0x22: {  	[simem:s7], [sflag:s8] =	dma.local @!p0 [hbm:s6], $0xF7A  }
0x23: {  	s9 =	sor.u32 $0xD0000000, s2;
	s6 =	simm.s32 $0x108;
	_ =	swait.ge @!p0 [sflag:s8], $0x0  }
0x24: {  	s3 =	sadd.s32 $0x88, s3;
	s6 =	simm.s32 @!p1 $0x1082;
	[sflag:s4] =	ssyncset.s32 $0xFFFFF086  }
0x25: {  	[simem:s6], [sflag:s4] =	dma.local [hbm:s3], $0xF7A  }
0x26: {  	[smem:$0x3F9E] =	sst s1;
	(tag) =	ssettag s2;
	_ =	strace s9  }
0x27: {  	s1 =	sld [smem:$0x3FAE]  }
0x28: {  	s2 =	sld [smem:$0x3FAF]  }
0x29: {  	s4 =	sld [smem:$0x3FB1]  }
0x2a: {  	p0 =	seq.s32 s5, $0x0;
	s5 =	sld [smem:$0x3FB2]  }
0x2b: {  	s6 =	sld [smem:$0x3FB3]  }
0x2c: {  	s7 =	sld [smem:$0x3FB4]  }
0x2d: {  	s3 =	simm.s32 $0x108;
	s8 =	sld [smem:$0x3FB5]  }
0x2e: {  	s3 =	simm.s32 @!p0 $0x1082;
	s9 =	sld [smem:$0x3FB6]  }
0x2f: {  	lr =	sadd.s32 s0, s3;
	s0 =	sld [smem:$0x3FAD]  }
0x30: {  	s3 =	sld [smem:$0x3FB0]  }
0x31: {  	[smem:$0x3FB9] =	sst s10  }
0x32: {  	s10 =	sld [smem:$0x3FB7];
	_ =	sdelay $0x3  }
0x33: {  	p0 =	seq.s32 s10, $0x1;
	s10 =	sld [smem:$0x3FB9];
	_ =	sdelay $0x3  }
0x34: {  	[smem:$0x3FB9] =	sst s10  }
0x35: {  	s10 =	sld [smem:$0x3FB8];
	_ =	sdelay $0x3  }
0x36: {  	p1 =	seq.s32 s10, $0x1;
	s10 =	sld [smem:$0x3FB9];
	_ =	sdelay $0x3  }
0x37: {  	[smem:$0x3FB9] =	sst s10  }
0x38: {  	s10 =	sld [smem:$0x3FBA]  }
0x39: {  	_ = 	snop;
	(pc) =	sbr.ind lr, $3  }
0x3a: {  	_ = 	snop  }
0x3b: {  	_ = 	snop  }
0x3c: {  	p2 =	seq.s32 s10, $0x1;
	s10 =	sld [smem:$0x3FB9]  }
0x3d: {  	_ =	shalt  }
0x3e: {  	_ =	shalt  }
0x3f: {  	_ =	shalt  }
0x40: {  	_ =	shalt  }
0x41: {  	_ =	shalt  }
0x42: {  	_ =	shalt  }
0x43: {  	_ =	shalt  }
0x44: {  	_ =	shalt  }
0x45: {  	_ =	shalt  }
0x46: {  	_ =	shalt  }
0x47: {  	_ =	shalt  }
0x48: {  	_ =	shalt  }
0x49: {  	_ =	shalt  }
0x4a: {  	_ =	shalt  }
0x4b: {  	_ =	shalt  }
0x4c: {  	_ =	shalt  }
0x4d: {  	_ =	shalt  }
0x4e: {  	_ =	shalt  }
0x4f: {  	_ =	shalt  }
0x50: {  	_ =	shalt  }
0x51: {  	_ =	shalt  }
0x52: {  	_ =	shalt  }
0x53: {  	_ =	shalt  }
0x54: {  	_ =	shalt  }
0x55: {  	_ =	shalt  }
0x56: {  	_ =	shalt  }
0x57: {  	_ =	shalt  }
0x58: {  	_ =	shalt  }
0x59: {  	_ =	shalt  }
0x5a: {  	_ =	shalt  }
0x5b: {  	_ =	shalt  }
0x5c: {  	_ =	shalt  }
0x5d: {  	_ =	shalt  }
0x5e: {  	_ =	shalt  }
0x5f: {  	_ =	shalt  }
0x60: {  	_ =	shalt  }
0x61: {  	_ =	shalt  }
0x62: {  	_ =	shalt  }
0x63: {  	_ =	shalt  }
0x64: {  	_ =	shalt  }
0x65: {  	_ =	shalt  }
0x66: {  	_ =	shalt  }
0x67: {  	_ =	shalt  }
0x68: {  	_ =	shalt  }
0x69: {  	_ =	shalt  }
0x6a: {  	_ =	shalt  }
0x6b: {  	_ =	shalt  }
0x6c: {  	_ =	shalt  }
0x6d: {  	_ =	shalt  }
0x6e: {  	_ =	shalt  }
0x6f: {  	_ =	shalt  }
0x70: {  	_ =	shalt  }
0x71: {  	_ =	shalt  }
0x72: {  	_ =	shalt  }
0x73: {  	_ =	shalt  }
0x74: {  	_ =	shalt  }
0x75: {  	_ =	shalt  }
0x76: {  	_ =	shalt  }
0x77: {  	_ =	shalt  }
0x78: {  	_ =	shalt  }
0x79: {  	_ =	shalt  }
0x7a: {  	_ =	shalt  }
0x7b: {  	_ =	shalt  }
0x7c: {  	_ =	shalt  }
0x7d: {  	_ =	shalt  }
0x7e: {  	_ =	shalt  }
0x7f: {  	_ =	shalt  }
0x80: {  	_ =	shalt  }
0x81: {  	_ =	shalt  }
0x82: {  	_ =	shalt  }
0x83: {  	_ =	shalt  }
0x84: {  	_ =	shalt  }
0x85: {  	_ =	shalt  }
0x86: {  	_ =	shalt  }
0x87: {  	_ =	shalt  }
.Lfunc_end0:
.L_simem_size_0:
called_computation_lowered:
.L_overlay_start_0:
0x88: {  	s2 =	sld [smem:$0x3FD9]  }
0x89: {  	s3 =	sld [smem:$0x3FFE];
	_ =	sdelay $0x1  }
0x8a: {  	s1 =	srdreg.scid  }
0x8b: {  	s0 =	sand.u32 $0x1, s1  }
0x8c: {  	s17 =	sshll.u32 s0, $0xA;
	s2 =	sadd.s32 s3, s2  }
0x8d: {  	s2 =	sadd.s32 s2, s17  }
0x8e: {  	[smem:$0x3FC5] =	sst s2  }
0x8f: {  	_ = 	snop  }
0x90: {  	s2 =	sld [smem:$0x3FD0];
	(tm) =	ssettm $0x1  }
0x91: {  	s18 =	sld [smem:$0x3FFB];
	_ =	sdelay $0x3  }
0x92: {  	_ =	strace s18  }
0x93: {  	s3 =	sld [smem:$0x3FFC];
	_ =	sdelay $0x3  }
0x94: {  	_ =	strace s3  }
0x95: {  	s3 =	sld [smem:$0x3FFD];
	_ =	sdelay $0x3  }
0x96: {  	_ =	strace s3  }
0x97: {  	_ =	strace $0x8FFFFFFF  }
0x98: {  	s19 =	sld [smem:$0x3FDB];
	_ =	sdelay $0x1  }
0x99: {  	s4 =	simm.s32 $_scs_section_size  }
0x9a: {  	s5 =	simm.s32 $_size__tile_overlayer_lowered;
	s6 =	simm.s32 $_tile_overlayer_lowered  }
0x9b: {  	s22 =	simm.s32 $0x1BFF;
	s21 =	sshll.u32 s6, $0x1;
	s3 =	sadd.s32 s4, s19  }
0x9c: {  	s7 =	simm.s32 $0x0;
	s20 =	sshll.u32 s5, $0x1;
	s5 =	sadd.s32 s21, s3  }
0x9d: {  	[timem:s7], [sflag:s22] =	dma.local [hbm:s5], s20  }
0x9e: {  	_ =	swait.ge [sflag:s22], s20  }
0x9f: {  	s4 =	ssub.s32 $0x0, s20;
	[sflag:s22] =	ssyncset.done $0x0  }
0xa0: {  	[sflag:s22] =	ssyncadd.s32 s4;
	_ =	sdelay $0x1  }
0xa1: {  	s23 =	simm.s32 $0x1B8B  }
0xa2: {  	_ =	swait.ge [sflag:s23], $0x1  }
0xa3: {  	[sflag:s23] =	ssyncset.done $0x0  }
0xa4: {  	s25 =	simm.s32 $0x1B8E;
	s24 =	sld [smem:$0x3FFE];
	[sflag:s23] =	ssyncadd.s32 $0xFFFFFFFF  }
0xa5: {  	s26 =	simm.s32 $execute0_lowered;
	[smem:$0x3FD2] =	sst s25  }
0xa6: {  	s5 =	sshll.u32 s26, $0x1;
	_ =	strace $0x80000046;
	[dreg:$0x1] =	wrdreg $0xFFFFFFFF  }
0xa7: {  	s28 =	simm.s32 $_size_execute0_lowered;
	s3 =	sadd.s32 s3, s5;
	[dreg:$0x0] =	wrdreg $0x0  }
0xa8: {  	s5 =	sshll.u32 s28, $0x1;
	[dreg:$0x2] =	wrdreg s3  }
0xa9: {  	[dreg:$0x3] =	wrdreg s5  }
0xaa: {  	[dreg:$0x4] =	wrdreg $0xC0  }
0xab: {  	_ =	task [dreg:s7], $0x5FFFF  }
0xac: {  	[dreg:$0x1] =	wrdreg $0xFFFFFFFF  }
0xad: {  	[dreg:$0x0] =	wrdreg $0x60  }
0xae: {  	[dreg:$0x2] =	wrdreg s24  }
0xaf: {  	[dreg:$0x3] =	wrdreg s2  }
0xb0: {  	[dreg:$0x4] =	wrdreg $0x9  }
0xb1: {  	_ =	task.clear_ibuf [dreg:s7], $0x5FFFF;
	_ =	strace $0x90000046  }
0xb2: {  	s29 =	simm.s32 $0x9;
	_ =	strace $0x80000048  }
0xb3: {  	_ =	swait.ge [sflag:s29], $0x1  }
0xb4: {  	[sflag:s29] =	ssyncadd.s32 $0xFFFFFFFF  }
0xb5: {  	_ =	strace $0x90000048  }
0xb6: {  	_ =	sfence  }
0xb7: {  	s30 =	sld [smem:$0x0];
	_ =	sdelay $0x2  }
0xb8: {  	s31 =	sshll.u32 s1, $0xD;
	s1 =	sshrl.u32 s1, $0x2  }
0xb9: {  	s3 =	sand.u32 $0x4000, s31;
	s1 =	sadd.s32 s1, s30  }
0xba: {  	s0 =	sor.u32 s3, s0;
	s1 =	sshll.u32 s1, $0x11  }
0xbb: {  	s0 =	sor.u32 s1, s0  }
0xbc: {  	s0 =	sadd.s32 $0x8F2B, s0  }
0xbd: {  	[sflag:s0] =	ssyncadd.remote.s32 $0x1  }
0xbe: {  	_ =	sfence.sel $0xFFFF  }
0xbf: {  	[dreg:$0x0] =	wrdreg $0xFFFFFFFF;
	(pc) =	sbr.abs _section_cstart, $3  }
0xc0: {  	[dreg:$0x1] =	wrdreg $0xFFFFFFFF  }
0xc1: {  	_ =	task.clear_ibuf [dreg:s7], $0x2FFFF;
	_ =	strace $0x9FFFFFFF  }
0xc2: {  	(tm) =	ssettm $0x7FFFFFFF  }
0xc3: {  	_ =	shalt  }
tec
execute0_lowered:
.L_overlay_start_1:
0x0: {  	(tag) =	ssettag $0x1  }
0x1: {  	s7 =	rddreg [dreg:$0x0];
	s1 =	srdreg.scid  }
0x2: {  	s0 =	stileid.u32;
	s2 =	rddreg [dreg:$0x1];
	s3 =	simm.s32 $0x0  }
0x3: {  	s11 =	simm.s32 $0x1000;
	s12 =	simm.s32 $0x5;
	s13 =	simm.s32 $0x12800  }
0x4: {  	s14 =	simm.s32 $0x12840;
	s15 =	simm.s32 $0x6400;
	s16 =	simm.s32 $0xA400  }
0x5: {  	s17 =	simm.s32 $0x1;
	s18 =	simm.s32 $0xE400;
	s19 =	simm.s32 $0x2  }
0x6: {  	s20 =	simm.s32 $0x10600;
	s21 =	simm.s32 $0x3;
	s22 =	simm.s32 $0x4  }
0x7: {  	s23 =	simm.s32 $0x0;
	s4 =	sand.u32 $0x1, s1;
	s5 =	sshll.u32 s0, $0x1  }
0x8: {  	[smem:$0x7FF] =	sst s3;
	s8 =	sor.u32 s4, s5;
	s6 =	ssub.s32 $0x2, s4  }
0x9: {  	_ =	strace $0x80000047;
	s4 =	sadd.s32 $0xF5C800, s7;
	s5 =	sshll.u32 s8, $0x4  }
0xa: {  	s10 =	sshrl.u32 s6, $0x1;
	s8 =	sshll.u32 s8, $0xA;
	s9 =	sadd.s32 s5, s7  }
0xb: {  	s5 =	sadd.s32 $0xA00, s7;
	s10 =	ssub.s32 s6, s10;
	s7 =	sadd.s32 $0xF5C638, s7  }
0xc: {  	s6 =	sadd.s32 $0xF43000, s9;
	s9 =	smax.u32 s10, $0x1;
	s10 =	simm.s32 $0x80  }
.LBB2_1:
0xd: {  	[tilespmem:s3], [sflag:$0x5] =	stream.strided.gather [hbm4b:s6+s10], $0x6400, s11, s10, $0x38;
	[tilespmem:$0x12900] =	vst v63  }
0xe: {  	_ =	swait.ge [sflag:s12], $0x6400  }
0xf: {  	[sflag:s12] =	ssyncset.done $0x0  }
0x10: {  	[sflag:s12] =	ssyncadd.s32 $0xFFFF9C00  }
0x11: {  	[tilespmem:s13], [sflag:$0x5] =	stream.linear.gather [hbm4b:s7+s3], $0x40, $0x38;
	[tilespmem:$0x12900] =	vst v63  }
0x12: {  	_ =	swait.ge [sflag:s12], $0x40  }
0x13: {  	[sflag:s12] =	ssyncset.done $0x0  }
0x14: {  	[sflag:s12] =	ssyncadd.s32 $0xFFFFFFC0  }
0x15: {  	[tilespmem:s14], [sflag:$0x5] =	stream.linear.gather [hbm4b:s5+s3], $0xC0, $0x38;
	[tilespmem:$0x12900] =	vst v63  }
0x16: {  	_ =	swait.ge [sflag:s12], $0xC0  }
0x17: {  	[sflag:s12] =	ssyncset.done $0x0  }
0x18: {  	[sflag:s12] =	ssyncadd.s32 $0xFFFFFF40  }
0x19: {  	v5 =	vld [tilespmem:$0x12840]  }
0x1a: {  	v6 =	vld [tilespmem:$0x12850]  }
0x1b: {  	v7 =	vld [tilespmem:$0x12870]  }
0x1c: {  	v8 =	vld [tilespmem:$0x12880]  }
0x1d: {  	v9 =	vld [tilespmem:$0x128A0]  }
0x1e: {  	v10 =	vld [tilespmem:$0x128B0]  }
0x1f: {  	v11 =	vld [tilespmem:$0x128D0]  }
0x20: {  	v12 =	vld [tilespmem:$0x128E0];
	_ =	sdelay $0x1  }
0x21: {  	v4 =	vld [tilespmem:$0x12860]  }
0x22: {  	v0 =	vld [tilespmem:$0x12800];
	v13 =	vmul.u32 $0x440, v5;
	v6 =	vmul.u32 $0x88, v6  }
0x23: {  	v1 =	vld [tilespmem:$0x12810];
	v7 =	vmul.u32 $0x440, v7;
	v8 =	vmul.u32 $0x88, v8;
	v9 =	vmul.u32 $0x440, v9  }
0x24: {  	v2 =	vld [tilespmem:$0x12820];
	v10 =	vmul.u32 $0x88, v10;
	v11 =	vmul.u32 $0x440, v11;
	v12 =	vmul.u32 $0x88, v12  }
0x25: {  	s24 =	simm.s32 $0x0;
	v3 =	vld [tilespmem:$0x12830];
	v6 =	vadd.s32 v13, v6  }
0x26: {  	[tilespmem:$0x1FFF0] =	vst v4;
	v5 =	vld [tilespmem:$0x12890];
	[tilespmem:s15], [sflag:$0x1] =	stream.indirect.gather [hbm4b:s4+s10], $0x80, s3, s10, $0xb8;
	v7 =	vadd.s32 v7, v8;
	v8 =	vadd.s32 v9, v10;
	v9 =	vadd.s32 v11, v12  }
.LBB2_2:
0x27: {  	p0 =	seq.s32 s24, $0x0  }
0x28: {  	s26 =	simm.s32 @!p0 $0x4  }
0x29: {  	s25 =	sshllo.u32 s24, $0x1;
	_ =	swait.ge @!p0 [sflag:s26], $0x2000  }
0x2a: {  	s28 =	sshll.u32 s25, $0x7;
	[sflag:s26] =	ssyncset.done @!p0 $0x0  }
0x2b: {  	s31 =	sand.u32 $0x3FFFFF80, s28;
	[sflag:s26] =	ssyncadd.s32 @!p0 $0xFFFFE000  }
0x2c: {  	[tilespmem:s16], [sflag:$0x2] =	stream.indirect.gather [hbm4b:s4+s10], $0x80, s31, s10, $0xb8;
	[tilespmem:$0x12900] =	vst v63  }
0x2d: {  	_ =	swait.ge [sflag:s17], $0x4000  }
0x2e: {  	v4 =	vld [tilespmem:$0x1FFF0];
	_ =	sdelay $0x2  }
0x2f: {  	[sflag:s17] =	ssyncset.done $0x0  }
0x30: {  	s26 =	simm.s32 $0x6600;
	[sflag:s17] =	ssyncadd.s32 $0xFFFFC000  }
0x31: {  	v11 =	vld [tilespmem:s26+$0xFFFFFE00];
	v13 =	vand.u32 $0xFFFFFFF8, v4  }
0x32: {  	v14 =	vand.u32 $0x7, v4;
	v10 =	vadd.s32 v6, v13  }
0x33: {  	v10 =	vor.u32 v14, v10;
	_ =	sdelay $0x2  }
0x34: {  	v11 =	vadd.f32 v11, v0;
	_ =	sdelay $0x1  }
0x35: {  	[tilespmem:v10+s18+$0x0] =	vst.idx.msk $0xffff, v11  }
0x36: {  	v12 =	vld [tilespmem:s26+$0xFFFFFE10]  }
0x37: {  	v11 =	vadd.s32 v7, v13  }
0x38: {  	[tilespmem:$0x1FF80] =	vst v10;
	v10 =	vor.u32 v14, v11;
	_ =	sdelay $0x2  }
0x39: {  	v12 =	vadd.f32 v12, v1;
	_ =	sdelay $0x1  }
0x3a: {  	[tilespmem:v10+s18+$0x0] =	vst.idx.msk $0xffff, v12  }
0x3b: {  	v15 =	vld [tilespmem:s26+$0xFFFFFE20]  }
0x3c: {  	v50 =	vadd.s32 v8, v13  }
0x3d: {  	[tilespmem:$0x1FF90] =	vst v10;
	v10 =	vor.u32 v14, v50;
	_ =	sdelay $0x2  }
0x3e: {  	v15 =	vadd.f32 v15, v2;
	_ =	sdelay $0x1  }
0x3f: {  	[tilespmem:v10+s18+$0x0] =	vst.idx.msk $0xffff, v15  }
0x40: {  	v15 =	vld [tilespmem:s26+$0xFFFFFE30]  }
0x41: {  	v13 =	vadd.s32 v9, v13  }
0x42: {  	[tilespmem:$0x1FFA0] =	vst v10;
	v10 =	vor.u32 v14, v13;
	_ =	sdelay $0x2  }
0x43: {  	v51 =	vadd.f32 v15, v3;
	_ =	sdelay $0x1  }
0x44: {  	v18 =	vadd.s32 v5, v4;
	[tilespmem:v10+s18+$0x0] =	vst.idx.msk $0xffff, v51  }
0x45: {  	v17 =	vand.u32 $0xFFFFFFF8, v18;
	v15 =	vld [tilespmem:s26+$0xFFFFFE80]  }
0x46: {  	v19 =	vand.u32 $0x7, v18;
	v52 =	vadd.s32 v6, v17  }
0x47: {  	v4 =	vor.u32 v19, v52;
	_ =	sdelay $0x2  }
0x48: {  	v15 =	vadd.f32 v15, v0;
	_ =	sdelay $0x1  }
0x49: {  	[tilespmem:v4+s18+$0x0] =	vst.idx.msk $0xffff, v15  }
0x4a: {  	v16 =	vld [tilespmem:s26+$0xFFFFFE90]  }
0x4b: {  	v15 =	vadd.s32 v7, v17  }
0x4c: {  	[tilespmem:$0x1FFC0] =	vst v4;
	v4 =	vor.u32 v19, v15;
	_ =	sdelay $0x2  }
0x4d: {  	v16 =	vadd.f32 v16, v1;
	_ =	sdelay $0x1  }
0x4e: {  	[tilespmem:v4+s18+$0x0] =	vst.idx.msk $0xffff, v16  }
0x4f: {  	v20 =	vld [tilespmem:s26+$0xFFFFFEA0]  }
0x50: {  	v16 =	vadd.s32 v8, v17  }
0x51: {  	[tilespmem:$0x1FFD0] =	vst v4;
	v4 =	vor.u32 v19, v16;
	_ =	sdelay $0x2  }
0x52: {  	v20 =	vadd.f32 v20, v2;
	_ =	sdelay $0x1  }
0x53: {  	[tilespmem:v4+s18+$0x0] =	vst.idx.msk $0xffff, v20  }
0x54: {  	v20 =	vld [tilespmem:s26+$0xFFFFFEB0]  }
0x55: {  	v17 =	vadd.s32 v9, v17  }
0x56: {  	v17 =	vor.u32 v19, v17;
	_ =	sdelay $0x2  }
0x57: {  	v19 =	vadd.f32 v20, v3;
	_ =	sdelay $0x1  }
0x58: {  	v22 =	vadd.s32 v5, v18;
	[tilespmem:v17+s18+$0x0] =	vst.idx.msk $0xffff, v19  }
0x59: {  	v21 =	vand.u32 $0xFFFFFFF8, v22;
	v19 =	vld [tilespmem:s26+$0xFFFFFF00]  }
0x5a: {  	v23 =	vand.u32 $0x7, v22;
	v18 =	vadd.s32 v6, v21  }
0x5b: {  	v18 =	vor.u32 v23, v18;
	_ =	sdelay $0x2  }
0x5c: {  	v19 =	vadd.f32 v19, v0;
	_ =	sdelay $0x1  }
0x5d: {  	[tilespmem:v18+s18+$0x0] =	vst.idx.msk $0xffff, v19  }
0x5e: {  	v20 =	vld [tilespmem:s26+$0xFFFFFF10]  }
0x5f: {  	v19 =	vadd.s32 v7, v21  }
0x60: {  	v19 =	vor.u32 v23, v19;
	_ =	sdelay $0x2  }
0x61: {  	v20 =	vadd.f32 v20, v1;
	_ =	sdelay $0x1  }
0x62: {  	[tilespmem:v19+s18+$0x0] =	vst.idx.msk $0xffff, v20  }
0x63: {  	v24 =	vld [tilespmem:s26+$0xFFFFFF20]  }
0x64: {  	v20 =	vadd.s32 v8, v21  }
0x65: {  	v20 =	vor.u32 v23, v20;
	_ =	sdelay $0x2  }
0x66: {  	v24 =	vadd.f32 v24, v2;
	_ =	sdelay $0x1  }
0x67: {  	[tilespmem:v20+s18+$0x0] =	vst.idx.msk $0xffff, v24  }
0x68: {  	v24 =	vld [tilespmem:s26+$0xFFFFFF30]  }
0x69: {  	v21 =	vadd.s32 v9, v21  }
0x6a: {  	v21 =	vor.u32 v23, v21;
	_ =	sdelay $0x2  }
0x6b: {  	v23 =	vadd.f32 v24, v3;
	_ =	sdelay $0x1  }
0x6c: {  	v26 =	vadd.s32 v5, v22;
	[tilespmem:v21+s18+$0x0] =	vst.idx.msk $0xffff, v23  }
0x6d: {  	v25 =	vand.u32 $0xFFFFFFF8, v26;
	v23 =	vld [tilespmem:s26+$0xFFFFFF80]  }
0x6e: {  	v27 =	vand.u32 $0x7, v26;
	v22 =	vadd.s32 v6, v25  }
0x6f: {  	v22 =	vor.u32 v27, v22;
	_ =	sdelay $0x2  }
0x70: {  	v23 =	vadd.f32 v23, v0;
	_ =	sdelay $0x1  }
0x71: {  	[tilespmem:v22+s18+$0x0] =	vst.idx.msk $0xffff, v23  }
0x72: {  	v24 =	vld [tilespmem:s26+$0xFFFFFF90]  }
0x73: {  	v23 =	vadd.s32 v7, v25  }
0x74: {  	v23 =	vor.u32 v27, v23;
	_ =	sdelay $0x2  }
0x75: {  	v24 =	vadd.f32 v24, v1;
	_ =	sdelay $0x1  }
0x76: {  	[tilespmem:v23+s18+$0x0] =	vst.idx.msk $0xffff, v24  }
0x77: {  	v28 =	vld [tilespmem:s26+$0xFFFFFFA0]  }
0x78: {  	v24 =	vadd.s32 v8, v25  }
0x79: {  	v24 =	vor.u32 v27, v24;
	_ =	sdelay $0x2  }
0x7a: {  	v28 =	vadd.f32 v28, v2;
	_ =	sdelay $0x1  }
0x7b: {  	[tilespmem:v24+s18+$0x0] =	vst.idx.msk $0xffff, v28  }
0x7c: {  	v28 =	vld [tilespmem:s26+$0xFFFFFFB0]  }
0x7d: {  	v25 =	vadd.s32 v9, v25  }
0x7e: {  	v25 =	vor.u32 v27, v25;
	_ =	sdelay $0x2  }
0x7f: {  	v27 =	vadd.f32 v28, v3;
	_ =	sdelay $0x1  }
0x80: {  	v30 =	vadd.s32 v5, v26;
	[tilespmem:v25+s18+$0x0] =	vst.idx.msk $0xffff, v27  }
0x81: {  	v29 =	vand.u32 $0xFFFFFFF8, v30;
	v27 =	vld [tilespmem:s26+$0x0]  }
0x82: {  	v31 =	vand.u32 $0x7, v30;
	v26 =	vadd.s32 v6, v29  }
0x83: {  	v26 =	vor.u32 v31, v26;
	_ =	sdelay $0x2  }
0x84: {  	v27 =	vadd.f32 v27, v0;
	_ =	sdelay $0x1  }
0x85: {  	[tilespmem:v26+s18+$0x0] =	vst.idx.msk $0xffff, v27  }
0x86: {  	v28 =	vld [tilespmem:s26+$0x10]  }
0x87: {  	v27 =	vadd.s32 v7, v29  }
0x88: {  	v27 =	vor.u32 v31, v27;
	_ =	sdelay $0x2  }
0x89: {  	v28 =	vadd.f32 v28, v1;
	_ =	sdelay $0x1  }
0x8a: {  	[tilespmem:v27+s18+$0x0] =	vst.idx.msk $0xffff, v28  }
0x8b: {  	v32 =	vld [tilespmem:s26+$0x20]  }
0x8c: {  	v28 =	vadd.s32 v8, v29  }
0x8d: {  	v28 =	vor.u32 v31, v28;
	_ =	sdelay $0x2  }
0x8e: {  	v32 =	vadd.f32 v32, v2;
	_ =	sdelay $0x1  }
0x8f: {  	[tilespmem:v28+s18+$0x0] =	vst.idx.msk $0xffff, v32  }
0x90: {  	v32 =	vld [tilespmem:s26+$0x30]  }
0x91: {  	v29 =	vadd.s32 v9, v29  }
0x92: {  	v29 =	vor.u32 v31, v29;
	_ =	sdelay $0x2  }
0x93: {  	v31 =	vadd.f32 v32, v3;
	_ =	sdelay $0x1  }
0x94: {  	v34 =	vadd.s32 v5, v30;
	[tilespmem:v29+s18+$0x0] =	vst.idx.msk $0xffff, v31  }
0x95: {  	v33 =	vand.u32 $0xFFFFFFF8, v34;
	v31 =	vld [tilespmem:s26+$0x80]  }
0x96: {  	v35 =	vand.u32 $0x7, v34;
	v30 =	vadd.s32 v6, v33  }
0x97: {  	v30 =	vor.u32 v35, v30;
	_ =	sdelay $0x2  }
0x98: {  	v31 =	vadd.f32 v31, v0;
	_ =	sdelay $0x1  }
0x99: {  	[tilespmem:v30+s18+$0x0] =	vst.idx.msk $0xffff, v31  }
0x9a: {  	v53 =	vld [tilespmem:s26+$0x90]  }
0x9b: {  	v31 =	vadd.s32 v7, v33  }
0x9c: {  	v31 =	vor.u32 v35, v31;
	_ =	sdelay $0x2  }
0x9d: {  	v32 =	vadd.f32 v53, v1;
	_ =	sdelay $0x1  }
0x9e: {  	[tilespmem:v31+s18+$0x0] =	vst.idx.msk $0xffff, v32  }
0x9f: {  	v36 =	vld [tilespmem:s26+$0xA0]  }
0xa0: {  	v54 =	vadd.s32 v8, v33  }
0xa1: {  	v32 =	vor.u32 v35, v54;
	_ =	sdelay $0x2  }
0xa2: {  	v36 =	vadd.f32 v36, v2;
	_ =	sdelay $0x1  }
0xa3: {  	[tilespmem:v32+s18+$0x0] =	vst.idx.msk $0xffff, v36  }
0xa4: {  	v36 =	vld [tilespmem:s26+$0xB0]  }
0xa5: {  	v33 =	vadd.s32 v9, v33  }
0xa6: {  	v33 =	vor.u32 v35, v33;
	_ =	sdelay $0x2  }
0xa7: {  	v55 =	vadd.f32 v36, v3;
	_ =	sdelay $0x1  }
0xa8: {  	v34 =	vadd.s32 v5, v34;
	[tilespmem:v33+s18+$0x0] =	vst.idx.msk $0xffff, v55  }
0xa9: {  	v56 =	vand.u32 $0xFFFFFFF8, v34;
	v37 =	vld [tilespmem:s26+$0x100]  }
0xaa: {  	v39 =	vand.u32 $0x7, v34;
	v57 =	vadd.s32 v6, v56  }
0xab: {  	v35 =	vor.u32 v39, v57;
	_ =	sdelay $0x2  }
0xac: {  	v37 =	vadd.f32 v37, v0;
	_ =	sdelay $0x1  }
0xad: {  	[tilespmem:v35+s18+$0x0] =	vst.idx.msk $0xffff, v37  }
0xae: {  	v38 =	vld [tilespmem:s26+$0x110]  }
0xaf: {  	v58 =	vadd.s32 v7, v56  }
0xb0: {  	v37 =	vor.u32 v39, v58;
	_ =	sdelay $0x2  }
0xb1: {  	v38 =	vadd.f32 v38, v1;
	_ =	sdelay $0x1  }
0xb2: {  	[tilespmem:v37+s18+$0x0] =	vst.idx.msk $0xffff, v38  }
0xb3: {  	v40 =	vld [tilespmem:s26+$0x120]  }
0xb4: {  	v59 =	vadd.s32 v8, v56  }
0xb5: {  	v38 =	vor.u32 v39, v59;
	_ =	sdelay $0x2  }
0xb6: {  	v40 =	vadd.f32 v40, v2;
	_ =	sdelay $0x1  }
0xb7: {  	[tilespmem:v38+s18+$0x0] =	vst.idx.msk $0xffff, v40  }
0xb8: {  	v40 =	vld [tilespmem:s26+$0x130]  }
0xb9: {  	v36 =	vadd.s32 v9, v56  }
0xba: {  	v39 =	vor.u32 v39, v36;
	_ =	sdelay $0x2  }
0xbb: {  	v60 =	vadd.f32 v40, v3;
	_ =	sdelay $0x1  }
0xbc: {  	v34 =	vadd.s32 v5, v34;
	[tilespmem:v39+s18+$0x0] =	vst.idx.msk $0xffff, v60  }
0xbd: {  	v43 =	vand.u32 $0xFFFFFFF8, v34;
	v41 =	vld [tilespmem:s26+$0x180]  }
0xbe: {  	v61 =	vadd.s32 v6, v43;
	v36 =	vand.u32 $0x7, v34  }
0xbf: {  	v40 =	vor.u32 v36, v61;
	_ =	sdelay $0x2  }
0xc0: {  	v41 =	vadd.f32 v41, v0;
	_ =	sdelay $0x1  }
0xc1: {  	[tilespmem:v40+s18+$0x0] =	vst.idx.msk $0xffff, v41  }
0xc2: {  	v42 =	vld [tilespmem:s26+$0x190]  }
0xc3: {  	v62 =	vadd.s32 v7, v43  }
0xc4: {  	v41 =	vor.u32 v36, v62;
	_ =	sdelay $0x2  }
0xc5: {  	v42 =	vadd.f32 v42, v1;
	_ =	sdelay $0x1  }
0xc6: {  	[tilespmem:v41+s18+$0x0] =	vst.idx.msk $0xffff, v42  }
0xc7: {  	v44 =	vld [tilespmem:s26+$0x1A0]  }
0xc8: {  	v63 =	vadd.s32 v8, v43  }
0xc9: {  	v42 =	vor.u32 v36, v63;
	_ =	sdelay $0x2  }
0xca: {  	v44 =	vadd.f32 v44, v2;
	_ =	sdelay $0x1  }
0xcb: {  	[tilespmem:v42+s18+$0x0] =	vst.idx.msk $0xffff, v44  }
0xcc: {  	v46 =	vld [tilespmem:s26+$0x1B0]  }
0xcd: {  	v43 =	vadd.s32 v9, v43  }
0xce: {  	v45 =	vor.u32 v36, v43;
	_ =	sdelay $0x1  }
0xcf: {  	[tilespmem:$0x1FFB0] =	vst v10  }
0xd0: {  	s28 =	simm.s32 $0x0;
	[tilespmem:$0x1FFE0] =	vst v4;
	v44 =	vadd.s32 v5, v34;
	v46 =	vadd.f32 v46, v3  }
.LBB2_3:
0xd1: {  	_ = 	snop  }
0xd2: {  	s28 =	sadd.s32 $0x8, s28;
	s26 =	sadd.s32 $0x400, s26;
	[tilespmem:v45+s18+$0x0] =	vst.idx.msk $0xffff, v46  }
0xd3: {  	v46 =	vand.u32 $0xFFFFFFF8, v44;
	p0 =	slt.u32 s28, $0x78;
	v45 =	vld [tilespmem:s26+$0xFFFFFE00]  }
0xd4: {  	v47 =	vand.u32 $0x7, v44;
	v48 =	vadd.s32 v6, v46;
	v49 =	vadd.s32 v7, v46  }
0xd5: {  	v50 =	vadd.s32 v8, v46;
	v48 =	vor.u32 v47, v48;
	v49 =	vor.u32 v47, v49  }
0xd6: {  	v46 =	vadd.s32 v9, v46;
	v50 =	vor.u32 v47, v50  }
0xd7: {  	v46 =	vor.u32 v47, v46  }
0xd8: {  	v45 =	vadd.f32 v45, v0;
	_ =	sdelay $0x1  }
0xd9: {  	[tilespmem:v48+s18+$0x0] =	vst.idx.msk $0xffff, v45  }
0xda: {  	v45 =	vld [tilespmem:s26+$0xFFFFFE10];
	_ =	sdelay $0x4  }
0xdb: {  	v45 =	vadd.f32 v45, v1;
	_ =	sdelay $0x1  }
0xdc: {  	[tilespmem:v49+s18+$0x0] =	vst.idx.msk $0xffff, v45  }
0xdd: {  	v45 =	vld [tilespmem:s26+$0xFFFFFE20];
	_ =	sdelay $0x4  }
0xde: {  	v45 =	vadd.f32 v45, v2;
	_ =	sdelay $0x1  }
0xdf: {  	[tilespmem:v50+s18+$0x0] =	vst.idx.msk $0xffff, v45  }
0xe0: {  	v45 =	vld [tilespmem:s26+$0xFFFFFE30];
	_ =	sdelay $0x4  }
0xe1: {  	v45 =	vadd.f32 v45, v3;
	_ =	sdelay $0x1  }
0xe2: {  	v44 =	vadd.s32 v5, v44;
	[tilespmem:v46+s18+$0x0] =	vst.idx.msk $0xffff, v45  }
0xe3: {  	v61 =	vadd.s32 v5, v44;
	v46 =	vand.u32 $0xFFFFFFF8, v44;
	v45 =	vld [tilespmem:s26+$0xFFFFFE80]  }
0xe4: {  	v44 =	vand.u32 $0x7, v44;
	v47 =	vadd.s32 v6, v46;
	v48 =	vadd.s32 v7, v46  }
0xe5: {  	v47 =	vor.u32 v44, v47;
	v62 =	vor.u32 v44, v48;
	v48 =	vadd.s32 v8, v46  }
0xe6: {  	v4 =	vand.u32 $0xFFFFFFF8, v61;
	v46 =	vadd.s32 v9, v46;
	v63 =	vor.u32 v44, v48  }
0xe7: {  	v11 =	vadd.s32 v6, v4;
	v12 =	vadd.s32 v7, v4;
	v10 =	vor.u32 v44, v46  }
0xe8: {  	v14 =	vadd.s32 v5, v61;
	v13 =	vadd.s32 v8, v4;
	v44 =	vadd.f32 v45, v0  }
0xe9: {  	v60 =	vand.u32 $0xFFFFFFF8, v14;
	v57 =	vadd.s32 v5, v14  }
0xea: {  	v15 =	vadd.s32 v6, v60;
	v56 =	vand.u32 $0xFFFFFFF8, v57;
	v53 =	vadd.s32 v5, v57;
	[tilespmem:v47+s18+$0x0] =	vst.idx.msk $0xffff, v44  }
0xeb: {  	v58 =	vadd.s32 v6, v56;
	v59 =	vadd.s32 v7, v56;
	v52 =	vand.u32 $0xFFFFFFF8, v53;
	v16 =	vld [tilespmem:s26+$0xFFFFFE90]  }
0xec: {  	v54 =	vadd.s32 v6, v52;
	v55 =	vadd.s32 v9, v52;
	v50 =	vadd.s32 v5, v53  }
0xed: {  	v49 =	vand.u32 $0xFFFFFFF8, v50;
	v46 =	vadd.s32 v5, v50  }
0xee: {  	v51 =	vadd.s32 v6, v49;
	v45 =	vand.u32 $0xFFFFFFF8, v46;
	v44 =	vadd.s32 v5, v46  }
0xef: {  	v48 =	vadd.s32 v7, v45;
	v47 =	vadd.s32 v6, v45  }
0xf0: {  	v16 =	vadd.f32 v16, v1;
	_ =	sdelay $0x1  }
0xf1: {  	[tilespmem:v62+s18+$0x0] =	vst.idx.msk $0xffff, v16  }
0xf2: {  	v16 =	vld [tilespmem:s26+$0xFFFFFEA0];
	_ =	sdelay $0x4  }
0xf3: {  	v16 =	vadd.f32 v16, v2;
	_ =	sdelay $0x1  }
0xf4: {  	[tilespmem:v63+s18+$0x0] =	vst.idx.msk $0xffff, v16  }
0xf5: {  	v16 =	vld [tilespmem:s26+$0xFFFFFEB0];
	_ =	sdelay $0x4  }
0xf6: {  	v16 =	vadd.f32 v16, v3;
	_ =	sdelay $0x1  }
0xf7: {  	[tilespmem:v10+s18+$0x0] =	vst.idx.msk $0xffff, v16  }
0xf8: {  	v10 =	vld [tilespmem:s26+$0xFFFFFF00]  }
0xf9: {  	v16 =	vand.u32 $0x7, v61  }
0xfa: {  	v11 =	vor.u32 v16, v11;
	v12 =	vor.u32 v16, v12;
	v13 =	vor.u32 v16, v13;
	_ =	sdelay $0x2  }
0xfb: {  	v10 =	vadd.f32 v10, v0;
	_ =	sdelay $0x1  }
0xfc: {  	[tilespmem:v11+s18+$0x0] =	vst.idx.msk $0xffff, v10  }
0xfd: {  	v10 =	vld [tilespmem:s26+$0xFFFFFF10];
	_ =	sdelay $0x4  }
0xfe: {  	v10 =	vadd.f32 v10, v1;
	_ =	sdelay $0x1  }
0xff: {  	[tilespmem:v12+s18+$0x0] =	vst.idx.msk $0xffff, v10  }
0x100: {  	v10 =	vld [tilespmem:s26+$0xFFFFFF20];
	_ =	sdelay $0x4  }
0x101: {  	v10 =	vadd.f32 v10, v2;
	_ =	sdelay $0x1  }
0x102: {  	[tilespmem:v13+s18+$0x0] =	vst.idx.msk $0xffff, v10  }
0x103: {  	v10 =	vld [tilespmem:s26+$0xFFFFFF30]  }
0x104: {  	v4 =	vadd.s32 v9, v4  }
0x105: {  	v4 =	vor.u32 v16, v4;
	_ =	sdelay $0x2  }
0x106: {  	v10 =	vadd.f32 v10, v3;
	_ =	sdelay $0x1  }
0x107: {  	[tilespmem:v4+s18+$0x0] =	vst.idx.msk $0xffff, v10  }
0x108: {  	v4 =	vld [tilespmem:s26+$0xFFFFFF80]  }
0x109: {  	v10 =	vand.u32 $0x7, v14  }
0x10a: {  	v11 =	vor.u32 v10, v15;
	_ =	sdelay $0x2  }
0x10b: {  	v4 =	vadd.f32 v4, v0;
	_ =	sdelay $0x1  }
0x10c: {  	[tilespmem:v11+s18+$0x0] =	vst.idx.msk $0xffff, v4  }
0x10d: {  	v4 =	vld [tilespmem:s26+$0xFFFFFF90]  }
0x10e: {  	v11 =	vadd.s32 v7, v60  }
0x10f: {  	v11 =	vor.u32 v10, v11;
	_ =	sdelay $0x2  }
0x110: {  	v4 =	vadd.f32 v4, v1;
	_ =	sdelay $0x1  }
0x111: {  	[tilespmem:v11+s18+$0x0] =	vst.idx.msk $0xffff, v4  }
0x112: {  	v4 =	vld [tilespmem:s26+$0xFFFFFFA0]  }
0x113: {  	v11 =	vadd.s32 v8, v60  }
0x114: {  	v11 =	vor.u32 v10, v11;
	_ =	sdelay $0x2  }
0x115: {  	v4 =	vadd.f32 v4, v2;
	_ =	sdelay $0x1  }
0x116: {  	[tilespmem:v11+s18+$0x0] =	vst.idx.msk $0xffff, v4  }
0x117: {  	v4 =	vld [tilespmem:s26+$0xFFFFFFB0]  }
0x118: {  	v11 =	vadd.s32 v9, v60  }
0x119: {  	v10 =	vor.u32 v10, v11;
	_ =	sdelay $0x2  }
0x11a: {  	v4 =	vadd.f32 v4, v3;
	_ =	sdelay $0x1  }
0x11b: {  	[tilespmem:v10+s18+$0x0] =	vst.idx.msk $0xffff, v4  }
0x11c: {  	v4 =	vld [tilespmem:s26+$0x0]  }
0x11d: {  	v10 =	vand.u32 $0x7, v57  }
0x11e: {  	v11 =	vor.u32 v10, v58;
	v12 =	vor.u32 v10, v59;
	_ =	sdelay $0x2  }
0x11f: {  	v4 =	vadd.f32 v4, v0;
	_ =	sdelay $0x1  }
0x120: {  	[tilespmem:v11+s18+$0x0] =	vst.idx.msk $0xffff, v4  }
0x121: {  	v4 =	vld [tilespmem:s26+$0x10];
	_ =	sdelay $0x4  }
0x122: {  	v4 =	vadd.f32 v4, v1;
	_ =	sdelay $0x1  }
0x123: {  	[tilespmem:v12+s18+$0x0] =	vst.idx.msk $0xffff, v4  }
0x124: {  	v4 =	vld [tilespmem:s26+$0x20]  }
0x125: {  	v11 =	vadd.s32 v8, v56  }
0x126: {  	v11 =	vor.u32 v10, v11;
	_ =	sdelay $0x2  }
0x127: {  	v4 =	vadd.f32 v4, v2;
	_ =	sdelay $0x1  }
0x128: {  	[tilespmem:v11+s18+$0x0] =	vst.idx.msk $0xffff, v4  }
0x129: {  	v4 =	vld [tilespmem:s26+$0x30]  }
0x12a: {  	v11 =	vadd.s32 v9, v56  }
0x12b: {  	v10 =	vor.u32 v10, v11;
	_ =	sdelay $0x2  }
0x12c: {  	v4 =	vadd.f32 v4, v3;
	_ =	sdelay $0x1  }
0x12d: {  	[tilespmem:v10+s18+$0x0] =	vst.idx.msk $0xffff, v4  }
0x12e: {  	v4 =	vld [tilespmem:s26+$0x80]  }
0x12f: {  	v10 =	vand.u32 $0x7, v53  }
0x130: {  	v11 =	vor.u32 v10, v54;
	v12 =	vor.u32 v10, v55;
	_ =	sdelay $0x2  }
0x131: {  	v4 =	vadd.f32 v4, v0;
	_ =	sdelay $0x1  }
0x132: {  	[tilespmem:v11+s18+$0x0] =	vst.idx.msk $0xffff, v4  }
0x133: {  	v4 =	vld [tilespmem:s26+$0x90]  }
0x134: {  	v11 =	vadd.s32 v7, v52  }
0x135: {  	v11 =	vor.u32 v10, v11;
	_ =	sdelay $0x2  }
0x136: {  	v4 =	vadd.f32 v4, v1;
	_ =	sdelay $0x1  }
0x137: {  	[tilespmem:v11+s18+$0x0] =	vst.idx.msk $0xffff, v4  }
0x138: {  	v4 =	vld [tilespmem:s26+$0xA0]  }
0x139: {  	v11 =	vadd.s32 v8, v52  }
0x13a: {  	v10 =	vor.u32 v10, v11;
	_ =	sdelay $0x2  }
0x13b: {  	v4 =	vadd.f32 v4, v2;
	_ =	sdelay $0x1  }
0x13c: {  	[tilespmem:v10+s18+$0x0] =	vst.idx.msk $0xffff, v4  }
0x13d: {  	v4 =	vld [tilespmem:s26+$0xB0];
	_ =	sdelay $0x4  }
0x13e: {  	v4 =	vadd.f32 v4, v3;
	_ =	sdelay $0x1  }
0x13f: {  	[tilespmem:v12+s18+$0x0] =	vst.idx.msk $0xffff, v4  }
0x140: {  	v4 =	vld [tilespmem:s26+$0x100]  }
0x141: {  	v10 =	vand.u32 $0x7, v50  }
0x142: {  	v11 =	vor.u32 v10, v51;
	_ =	sdelay $0x2  }
0x143: {  	v4 =	vadd.f32 v4, v0;
	_ =	sdelay $0x1  }
0x144: {  	[tilespmem:v11+s18+$0x0] =	vst.idx.msk $0xffff, v4  }
0x145: {  	v4 =	vld [tilespmem:s26+$0x110]  }
0x146: {  	v11 =	vadd.s32 v7, v49  }
0x147: {  	v11 =	vor.u32 v10, v11;
	_ =	sdelay $0x2  }
0x148: {  	v4 =	vadd.f32 v4, v1;
	_ =	sdelay $0x1  }
0x149: {  	[tilespmem:v11+s18+$0x0] =	vst.idx.msk $0xffff, v4  }
0x14a: {  	v4 =	vld [tilespmem:s26+$0x120]  }
0x14b: {  	v11 =	vadd.s32 v8, v49  }
0x14c: {  	v11 =	vor.u32 v10, v11;
	_ =	sdelay $0x2  }
0x14d: {  	v4 =	vadd.f32 v4, v2;
	_ =	sdelay $0x1  }
0x14e: {  	[tilespmem:v11+s18+$0x0] =	vst.idx.msk $0xffff, v4  }
0x14f: {  	v4 =	vld [tilespmem:s26+$0x130]  }
0x150: {  	v11 =	vadd.s32 v9, v49  }
0x151: {  	v10 =	vor.u32 v10, v11;
	_ =	sdelay $0x2  }
0x152: {  	v4 =	vadd.f32 v4, v3;
	_ =	sdelay $0x1  }
0x153: {  	[tilespmem:v10+s18+$0x0] =	vst.idx.msk $0xffff, v4  }
0x154: {  	v4 =	vld [tilespmem:s26+$0x180]  }
0x155: {  	v10 =	vand.u32 $0x7, v46  }
0x156: {  	v11 =	vor.u32 v10, v47;
	v12 =	vor.u32 v10, v48;
	_ =	sdelay $0x2  }
0x157: {  	v4 =	vadd.f32 v4, v0;
	_ =	sdelay $0x1  }
0x158: {  	[tilespmem:v11+s18+$0x0] =	vst.idx.msk $0xffff, v4  }
0x159: {  	v4 =	vld [tilespmem:s26+$0x190];
	_ =	sdelay $0x4  }
0x15a: {  	v4 =	vadd.f32 v4, v1;
	_ =	sdelay $0x1  }
0x15b: {  	[tilespmem:v12+s18+$0x0] =	vst.idx.msk $0xffff, v4  }
0x15c: {  	v4 =	vld [tilespmem:s26+$0x1A0]  }
0x15d: {  	v11 =	vadd.s32 v8, v45  }
0x15e: {  	v11 =	vor.u32 v10, v11;
	_ =	sdelay $0x2  }
0x15f: {  	v4 =	vadd.f32 v4, v2;
	_ =	sdelay $0x1  }
0x160: {  	[tilespmem:v11+s18+$0x0] =	vst.idx.msk $0xffff, v4  }
0x161: {  	v4 =	vld [tilespmem:s26+$0x1B0]  }
.Ltmp0:
0x162: {  	v11 =	vadd.s32 v9, v45;
	(pc) =	sbr.rel @p0 .LBB2_3-.Ltmp0, $2  }
0x163: {  	v45 =	vor.u32 v10, v11;
	_ =	sdelay $0x2  }
0x164: {  	v46 =	vadd.f32 v4, v3  }
0x165: {  	_ = 	snop  }
0x166: {  	s26 =	sshll.u32 s24, $0x13  }
0x167: {  	s26 =	sor.u32 s8, s26  }
0x168: {  	s26 =	sshrl.u32 s26, $0x3  }
0x169: {  	s1 =	simm.s32 $0xE400;
	[tilespmem:v45+s18+$0x0] =	vst.idx.msk $0xffff, v46;
	s28 =	sadd.s32 s2, s26  }
0x16a: {  	[hbm4b:s28+s3] =	stream.linear.scatter [tilespmem:s1], [sflag:$0x3], $0x80, $0x38;
	[tilespmem:$0x12900] =	vst v63  }
0x16b: {  	s1 =	simm.s32 $0xE488;
	s29 =	sadd.s32 $0x10, s28  }
0x16c: {  	[hbm4b:s29+s3] =	stream.linear.scatter [tilespmem:s1], [sflag:$0x3], $0x80, $0x38;
	[tilespmem:$0x12900] =	vst v63  }
0x16d: {  	s1 =	simm.s32 $0xE510;
	s29 =	sadd.s32 $0x20, s28  }
0x16e: {  	[hbm4b:s29+s3] =	stream.linear.scatter [tilespmem:s1], [sflag:$0x3], $0x80, $0x38;
	[tilespmem:$0x12900] =	vst v63  }
0x16f: {  	s1 =	simm.s32 $0xE598;
	s29 =	sadd.s32 $0x30, s28  }
0x170: {  	[hbm4b:s29+s3] =	stream.linear.scatter [tilespmem:s1], [sflag:$0x3], $0x80, $0x38;
	[tilespmem:$0x12900] =	vst v63  }
0x171: {  	s1 =	simm.s32 $0xE620;
	s29 =	sadd.s32 $0x40, s28  }
0x172: {  	[hbm4b:s29+s3] =	stream.linear.scatter [tilespmem:s1], [sflag:$0x3], $0x80, $0x38;
	[tilespmem:$0x12900] =	vst v63  }
0x173: {  	s30 =	simm.s32 $0xE7B8;
	s1 =	simm.s32 $0xE6A8;
	s29 =	sadd.s32 $0x50, s28  }
0x174: {  	[hbm4b:s29+s3] =	stream.linear.scatter [tilespmem:s1], [sflag:$0x3], $0x80, $0x38;
	[tilespmem:$0x12900] =	vst v63  }
0x175: {  	s26 =	simm.s32 $0x440;
	s1 =	simm.s32 $0xE730;
	s29 =	sadd.s32 $0x60, s28  }
0x176: {  	[hbm4b:s29+s3] =	stream.linear.scatter [tilespmem:s1], [sflag:$0x3], $0x80, $0x38;
	[tilespmem:$0x12900] =	vst v63  }
0x177: {  	s31 =	sadd.s32 $0x70, s28;
	s28 =	sadd.s32 $0x1000, s28;
	s29 =	simm.s32 $0x2200  }
.LBB2_5:
0x178: {  	[hbm4b:s31+s3] =	stream.linear.scatter [tilespmem:s30], [sflag:$0x3], $0x80, $0x38;
	[tilespmem:$0x12900] =	vst v63  }
0x179: {  	s30 =	smov.u32 s26;
	s26 =	smov.u32 s29  }
0x17a: {  	s1 =	sadd.s32 $0x1100, s29;
	s26 =	sshra.s32 s26, $0x2;
	s31 =	sadd.s32 $0xE400, s30  }
0x17b: {  	[hbm4b:s28+s3] =	stream.linear.scatter [tilespmem:s31], [sflag:$0x3], $0x80, $0x38;
	[tilespmem:$0x12900] =	vst v63  }
0x17c: {  	p0 =	sne.s32 s29, $0x7700;
	s29 =	sadd.s32 $0xE488, s30;
	s31 =	sadd.s32 $0x10, s28  }
0x17d: {  	[hbm4b:s31+s3] =	stream.linear.scatter [tilespmem:s29], [sflag:$0x3], $0x80, $0x38;
	[tilespmem:$0x12900] =	vst v63  }
0x17e: {  	s29 =	sadd.s32 $0xE510, s30;
	s31 =	sadd.s32 $0x20, s28  }
0x17f: {  	[hbm4b:s31+s3] =	stream.linear.scatter [tilespmem:s29], [sflag:$0x3], $0x80, $0x38;
	[tilespmem:$0x12900] =	vst v63  }
0x180: {  	s29 =	sadd.s32 $0xE598, s30;
	s31 =	sadd.s32 $0x30, s28  }
0x181: {  	[hbm4b:s31+s3] =	stream.linear.scatter [tilespmem:s29], [sflag:$0x3], $0x80, $0x38;
	[tilespmem:$0x12900] =	vst v63  }
0x182: {  	s29 =	sadd.s32 $0xE620, s30;
	s31 =	sadd.s32 $0x40, s28  }
0x183: {  	[hbm4b:s31+s3] =	stream.linear.scatter [tilespmem:s29], [sflag:$0x3], $0x80, $0x38;
	[tilespmem:$0x12900] =	vst v63  }
.Ltmp1:
0x184: {  	s29 =	sadd.s32 $0xE6A8, s30;
	s31 =	sadd.s32 $0x50, s28;
	(pc) =	sbr.rel @p0 .LBB2_5-.Ltmp1, $4  }
0x185: {  	[hbm4b:s31+s3] =	stream.linear.scatter [tilespmem:s29], [sflag:$0x3], $0x80, $0x38;
	[tilespmem:$0x12900] =	vst v63  }
0x186: {  	s29 =	sadd.s32 $0xE730, s30;
	s31 =	sadd.s32 $0x60, s28;
	s30 =	sadd.s32 $0xE7B8, s30  }
0x187: {  	[hbm4b:s31+s3] =	stream.linear.scatter [tilespmem:s29], [sflag:$0x3], $0x80, $0x38;
	[tilespmem:$0x12900] =	vst v63  }
0x188: {  	s31 =	sadd.s32 $0x70, s28;
	s28 =	sadd.s32 $0x1000, s28;
	s29 =	smov.u32 s1  }
0x189: {  	[hbm4b:s31+s3] =	stream.linear.scatter [tilespmem:s30], [sflag:$0x3], $0x80, $0x38;
	[tilespmem:$0x12900] =	vst v63  }
0x18a: {  	s1 =	sadd.s32 $0xE400, s26  }
0x18b: {  	[hbm4b:s28+s3] =	stream.linear.scatter [tilespmem:s1], [sflag:$0x3], $0x80, $0x38;
	[tilespmem:$0x12900] =	vst v63  }
0x18c: {  	s31 =	sadd.s32 $0xE488, s26;
	s29 =	sadd.s32 $0x10, s28  }
0x18d: {  	[hbm4b:s29+s3] =	stream.linear.scatter [tilespmem:s31], [sflag:$0x3], $0x80, $0x38;
	[tilespmem:$0x12900] =	vst v63  }
0x18e: {  	s30 =	sadd.s32 $0xE510, s26;
	s31 =	sadd.s32 $0x20, s28  }
0x18f: {  	[hbm4b:s31+s3] =	stream.linear.scatter [tilespmem:s30], [sflag:$0x3], $0x80, $0x38;
	[tilespmem:$0x12900] =	vst v63  }
0x190: {  	s30 =	sadd.s32 $0xE598, s26;
	s31 =	sadd.s32 $0x30, s28  }
0x191: {  	[hbm4b:s31+s3] =	stream.linear.scatter [tilespmem:s30], [sflag:$0x3], $0x80, $0x38;
	[tilespmem:$0x12900] =	vst v63  }
0x192: {  	s30 =	sadd.s32 $0xE620, s26;
	s31 =	sadd.s32 $0x40, s28  }
0x193: {  	[hbm4b:s31+s3] =	stream.linear.scatter [tilespmem:s30], [sflag:$0x3], $0x80, $0x38;
	[tilespmem:$0x12900] =	vst v63  }
0x194: {  	s30 =	sadd.s32 $0xE6A8, s26;
	s31 =	sadd.s32 $0x50, s28  }
0x195: {  	[hbm4b:s31+s3] =	stream.linear.scatter [tilespmem:s30], [sflag:$0x3], $0x80, $0x38;
	[tilespmem:$0x12900] =	vst v63  }
0x196: {  	p0 =	seq.s32 s24, $0x63;
	s30 =	sadd.s32 $0xE730, s26;
	s31 =	sadd.s32 $0x60, s28  }
0x197: {  	[hbm4b:s31+s3] =	stream.linear.scatter [tilespmem:s30], [sflag:$0x3], $0x80, $0x38;
	[tilespmem:$0x12900] =	vst v63  }
0x198: {  	s1 =	simm.s32 @!p0 $0x3;
	s30 =	sadd.s32 $0xE7B8, s26;
	s31 =	sadd.s32 $0x70, s28  }
0x199: {  	[hbm4b:s31+s3] =	stream.linear.scatter [tilespmem:s30], [sflag:$0x3], $0x80, $0x38;
	[tilespmem:$0x12900] =	vst v63  }
0x19a: {  	_ =	swait.ge @!p0 [sflag:s1], $0x2000  }
0x19b: {  	s26 =	sshll.u32 @!p0 s24, $0x8;
	[sflag:s1] =	ssyncset.done @!p0 $0x0  }
0x19c: {  	[sflag:s1] =	ssyncadd.s32 @!p0 $0xFFFFE000;
	s1 =	sand.u32 @!p0 $0x3FFFFF00, s26  }
0x19d: {  	s28 =	simm.s32 @!p0 $0x6400;
	s26 =	simm.s32 @!p0 $0x80;
	s1 =	sadd.s32 @!p0 $0x100, s1  }
0x19e: {  	[tilespmem:s28], [sflag:$0x1] =	stream.indirect.gather @!p0 [hbm4b:s4+s26], $0x80, s1, s26, $0xb8;
	[tilespmem:$0x12900] =	vst v63  }
0x19f: {  	_ =	swait.ge [sflag:s19], $0x4000  }
0x1a0: {  	[sflag:s19] =	ssyncset.done $0x0  }
0x1a1: {  	s26 =	simm.s32 $0xA600;
	v10 =	vld [tilespmem:$0x1FF80];
	[sflag:s19] =	ssyncadd.s32 $0xFFFFC000  }
0x1a2: {  	v4 =	vld [tilespmem:s26+$0xFFFFFE00];
	_ =	sdelay $0x4  }
0x1a3: {  	v4 =	vadd.f32 v4, v0;
	_ =	sdelay $0x1  }
0x1a4: {  	[tilespmem:v10+s20+$0x0] =	vst.idx.msk $0xffff, v4;
	v10 =	vld [tilespmem:$0x1FF90]  }
0x1a5: {  	v4 =	vld [tilespmem:s26+$0xFFFFFE10];
	_ =	sdelay $0x4  }
0x1a6: {  	v4 =	vadd.f32 v4, v1;
	_ =	sdelay $0x1  }
0x1a7: {  	[tilespmem:v10+s20+$0x0] =	vst.idx.msk $0xffff, v4;
	v10 =	vld [tilespmem:$0x1FFA0]  }
0x1a8: {  	v4 =	vld [tilespmem:s26+$0xFFFFFE20];
	_ =	sdelay $0x4  }
0x1a9: {  	v4 =	vadd.f32 v4, v2;
	_ =	sdelay $0x1  }
0x1aa: {  	[tilespmem:v10+s20+$0x0] =	vst.idx.msk $0xffff, v4;
	v10 =	vld [tilespmem:$0x1FFB0]  }
0x1ab: {  	v4 =	vld [tilespmem:s26+$0xFFFFFE30];
	_ =	sdelay $0x4  }
0x1ac: {  	v4 =	vadd.f32 v4, v3;
	_ =	sdelay $0x1  }
0x1ad: {  	[tilespmem:v10+s20+$0x0] =	vst.idx.msk $0xffff, v4;
	v10 =	vld [tilespmem:$0x1FFC0]  }
0x1ae: {  	v4 =	vld [tilespmem:s26+$0xFFFFFE80];
	_ =	sdelay $0x4  }
0x1af: {  	v4 =	vadd.f32 v4, v0;
	_ =	sdelay $0x1  }
0x1b0: {  	[tilespmem:v10+s20+$0x0] =	vst.idx.msk $0xffff, v4;
	v10 =	vld [tilespmem:$0x1FFD0]  }
0x1b1: {  	v4 =	vld [tilespmem:s26+$0xFFFFFE90];
	_ =	sdelay $0x4  }
0x1b2: {  	v4 =	vadd.f32 v4, v1;
	_ =	sdelay $0x1  }
0x1b3: {  	[tilespmem:v10+s20+$0x0] =	vst.idx.msk $0xffff, v4;
	v10 =	vld [tilespmem:$0x1FFE0]  }
0x1b4: {  	v4 =	vld [tilespmem:s26+$0xFFFFFEA0];
	_ =	sdelay $0x4  }
0x1b5: {  	v4 =	vadd.f32 v4, v2;
	_ =	sdelay $0x1  }
0x1b6: {  	[tilespmem:v10+s20+$0x0] =	vst.idx.msk $0xffff, v4  }
0x1b7: {  	v4 =	vld [tilespmem:s26+$0xFFFFFEB0];
	_ =	sdelay $0x4  }
0x1b8: {  	v4 =	vadd.f32 v4, v3;
	_ =	sdelay $0x1  }
0x1b9: {  	[tilespmem:v17+s20+$0x0] =	vst.idx.msk $0xffff, v4  }
0x1ba: {  	v4 =	vld [tilespmem:s26+$0xFFFFFF00];
	_ =	sdelay $0x4  }
0x1bb: {  	v4 =	vadd.f32 v4, v0;
	_ =	sdelay $0x1  }
0x1bc: {  	[tilespmem:v18+s20+$0x0] =	vst.idx.msk $0xffff, v4  }
0x1bd: {  	v4 =	vld [tilespmem:s26+$0xFFFFFF10];
	_ =	sdelay $0x4  }
0x1be: {  	v4 =	vadd.f32 v4, v1;
	_ =	sdelay $0x1  }
0x1bf: {  	[tilespmem:v19+s20+$0x0] =	vst.idx.msk $0xffff, v4  }
0x1c0: {  	v4 =	vld [tilespmem:s26+$0xFFFFFF20];
	_ =	sdelay $0x4  }
0x1c1: {  	v4 =	vadd.f32 v4, v2;
	_ =	sdelay $0x1  }
0x1c2: {  	[tilespmem:v20+s20+$0x0] =	vst.idx.msk $0xffff, v4  }
0x1c3: {  	v4 =	vld [tilespmem:s26+$0xFFFFFF30];
	_ =	sdelay $0x4  }
0x1c4: {  	v4 =	vadd.f32 v4, v3;
	_ =	sdelay $0x1  }
0x1c5: {  	[tilespmem:v21+s20+$0x0] =	vst.idx.msk $0xffff, v4  }
0x1c6: {  	v4 =	vld [tilespmem:s26+$0xFFFFFF80];
	_ =	sdelay $0x4  }
0x1c7: {  	v4 =	vadd.f32 v4, v0;
	_ =	sdelay $0x1  }
0x1c8: {  	[tilespmem:v22+s20+$0x0] =	vst.idx.msk $0xffff, v4  }
0x1c9: {  	v4 =	vld [tilespmem:s26+$0xFFFFFF90];
	_ =	sdelay $0x4  }
0x1ca: {  	v4 =	vadd.f32 v4, v1;
	_ =	sdelay $0x1  }
0x1cb: {  	[tilespmem:v23+s20+$0x0] =	vst.idx.msk $0xffff, v4  }
0x1cc: {  	v4 =	vld [tilespmem:s26+$0xFFFFFFA0];
	_ =	sdelay $0x4  }
0x1cd: {  	v4 =	vadd.f32 v4, v2;
	_ =	sdelay $0x1  }
0x1ce: {  	[tilespmem:v24+s20+$0x0] =	vst.idx.msk $0xffff, v4  }
0x1cf: {  	v4 =	vld [tilespmem:s26+$0xFFFFFFB0];
	_ =	sdelay $0x4  }
0x1d0: {  	v4 =	vadd.f32 v4, v3;
	_ =	sdelay $0x1  }
0x1d1: {  	[tilespmem:v25+s20+$0x0] =	vst.idx.msk $0xffff, v4  }
0x1d2: {  	v4 =	vld [tilespmem:s26+$0x0];
	_ =	sdelay $0x4  }
0x1d3: {  	v4 =	vadd.f32 v4, v0;
	_ =	sdelay $0x1  }
0x1d4: {  	[tilespmem:v26+s20+$0x0] =	vst.idx.msk $0xffff, v4  }
0x1d5: {  	v4 =	vld [tilespmem:s26+$0x10];
	_ =	sdelay $0x4  }
0x1d6: {  	v4 =	vadd.f32 v4, v1;
	_ =	sdelay $0x1  }
0x1d7: {  	[tilespmem:v27+s20+$0x0] =	vst.idx.msk $0xffff, v4  }
0x1d8: {  	v4 =	vld [tilespmem:s26+$0x20];
	_ =	sdelay $0x4  }
0x1d9: {  	v4 =	vadd.f32 v4, v2;
	_ =	sdelay $0x1  }
0x1da: {  	[tilespmem:v28+s20+$0x0] =	vst.idx.msk $0xffff, v4  }
0x1db: {  	v4 =	vld [tilespmem:s26+$0x30];
	_ =	sdelay $0x4  }
0x1dc: {  	v4 =	vadd.f32 v4, v3;
	_ =	sdelay $0x1  }
0x1dd: {  	[tilespmem:v29+s20+$0x0] =	vst.idx.msk $0xffff, v4  }
0x1de: {  	v4 =	vld [tilespmem:s26+$0x80];
	_ =	sdelay $0x4  }
0x1df: {  	v4 =	vadd.f32 v4, v0;
	_ =	sdelay $0x1  }
0x1e0: {  	[tilespmem:v30+s20+$0x0] =	vst.idx.msk $0xffff, v4  }
0x1e1: {  	v4 =	vld [tilespmem:s26+$0x90];
	_ =	sdelay $0x4  }
0x1e2: {  	v4 =	vadd.f32 v4, v1;
	_ =	sdelay $0x1  }
0x1e3: {  	[tilespmem:v31+s20+$0x0] =	vst.idx.msk $0xffff, v4  }
0x1e4: {  	v4 =	vld [tilespmem:s26+$0xA0];
	_ =	sdelay $0x4  }
0x1e5: {  	v4 =	vadd.f32 v4, v2;
	_ =	sdelay $0x1  }
0x1e6: {  	[tilespmem:v32+s20+$0x0] =	vst.idx.msk $0xffff, v4  }
0x1e7: {  	v4 =	vld [tilespmem:s26+$0xB0];
	_ =	sdelay $0x4  }
0x1e8: {  	v4 =	vadd.f32 v4, v3;
	_ =	sdelay $0x1  }
0x1e9: {  	[tilespmem:v33+s20+$0x0] =	vst.idx.msk $0xffff, v4  }
0x1ea: {  	v4 =	vld [tilespmem:s26+$0x100];
	_ =	sdelay $0x4  }
0x1eb: {  	v4 =	vadd.f32 v4, v0;
	_ =	sdelay $0x1  }
0x1ec: {  	[tilespmem:v35+s20+$0x0] =	vst.idx.msk $0xffff, v4  }
0x1ed: {  	v4 =	vld [tilespmem:s26+$0x110];
	_ =	sdelay $0x4  }
0x1ee: {  	v4 =	vadd.f32 v4, v1;
	_ =	sdelay $0x1  }
0x1ef: {  	[tilespmem:v37+s20+$0x0] =	vst.idx.msk $0xffff, v4  }
0x1f0: {  	v4 =	vld [tilespmem:s26+$0x120];
	_ =	sdelay $0x4  }
0x1f1: {  	v4 =	vadd.f32 v4, v2;
	_ =	sdelay $0x1  }
0x1f2: {  	[tilespmem:v38+s20+$0x0] =	vst.idx.msk $0xffff, v4  }
0x1f3: {  	v4 =	vld [tilespmem:s26+$0x130];
	_ =	sdelay $0x4  }
0x1f4: {  	v4 =	vadd.f32 v4, v3;
	_ =	sdelay $0x1  }
0x1f5: {  	[tilespmem:v39+s20+$0x0] =	vst.idx.msk $0xffff, v4  }
0x1f6: {  	v4 =	vld [tilespmem:s26+$0x180];
	_ =	sdelay $0x4  }
0x1f7: {  	v4 =	vadd.f32 v4, v0;
	_ =	sdelay $0x1  }
0x1f8: {  	[tilespmem:v40+s20+$0x0] =	vst.idx.msk $0xffff, v4  }
0x1f9: {  	v4 =	vld [tilespmem:s26+$0x190];
	_ =	sdelay $0x4  }
0x1fa: {  	v4 =	vadd.f32 v4, v1;
	_ =	sdelay $0x1  }
0x1fb: {  	[tilespmem:v41+s20+$0x0] =	vst.idx.msk $0xffff, v4  }
0x1fc: {  	v4 =	vld [tilespmem:s26+$0x1A0];
	_ =	sdelay $0x4  }
0x1fd: {  	v4 =	vadd.f32 v4, v2;
	_ =	sdelay $0x1  }
0x1fe: {  	[tilespmem:v42+s20+$0x0] =	vst.idx.msk $0xffff, v4  }
0x1ff: {  	v4 =	vld [tilespmem:s26+$0x1B0];
	_ =	sdelay $0x1  }
0x200: {  	v11 =	vor.u32 v36, v43;
	_ =	sdelay $0x2  }
0x201: {  	s28 =	simm.s32 $0x0;
	v10 =	vadd.s32 v5, v34;
	v12 =	vadd.f32 v4, v3  }
.LBB2_7:
0x202: {  	_ = 	snop  }
0x203: {  	s28 =	sadd.s32 $0x8, s28;
	s26 =	sadd.s32 $0x400, s26;
	[tilespmem:v11+s20+$0x0] =	vst.idx.msk $0xffff, v12  }
0x204: {  	v11 =	vand.u32 $0xFFFFFFF8, v10;
	p0 =	slt.u32 s28, $0x78;
	v4 =	vld [tilespmem:s26+$0xFFFFFE00]  }
0x205: {  	v12 =	vand.u32 $0x7, v10;
	v13 =	vadd.s32 v6, v11;
	v14 =	vadd.s32 v7, v11  }
0x206: {  	v15 =	vadd.s32 v8, v11;
	v13 =	vor.u32 v12, v13;
	v14 =	vor.u32 v12, v14  }
0x207: {  	v11 =	vadd.s32 v9, v11;
	v15 =	vor.u32 v12, v15  }
0x208: {  	v11 =	vor.u32 v12, v11  }
0x209: {  	v4 =	vadd.f32 v4, v0;
	_ =	sdelay $0x1  }
0x20a: {  	[tilespmem:v13+s20+$0x0] =	vst.idx.msk $0xffff, v4  }
0x20b: {  	v4 =	vld [tilespmem:s26+$0xFFFFFE10];
	_ =	sdelay $0x4  }
0x20c: {  	v4 =	vadd.f32 v4, v1;
	_ =	sdelay $0x1  }
0x20d: {  	[tilespmem:v14+s20+$0x0] =	vst.idx.msk $0xffff, v4  }
0x20e: {  	v4 =	vld [tilespmem:s26+$0xFFFFFE20];
	_ =	sdelay $0x4  }
0x20f: {  	v4 =	vadd.f32 v4, v2;
	_ =	sdelay $0x1  }
0x210: {  	[tilespmem:v15+s20+$0x0] =	vst.idx.msk $0xffff, v4  }
0x211: {  	v4 =	vld [tilespmem:s26+$0xFFFFFE30];
	_ =	sdelay $0x4  }
0x212: {  	v4 =	vadd.f32 v4, v3;
	_ =	sdelay $0x1  }
0x213: {  	[tilespmem:v11+s20+$0x0] =	vst.idx.msk $0xffff, v4;
	v4 =	vadd.s32 v5, v10  }
0x214: {  	v10 =	vld [tilespmem:s26+$0xFFFFFE80];
	v11 =	vand.u32 $0xFFFFFFF8, v4;
	v27 =	vadd.s32 v5, v4  }
0x215: {  	v4 =	vand.u32 $0x7, v4;
	v12 =	vadd.s32 v6, v11;
	v13 =	vadd.s32 v7, v11  }
0x216: {  	v12 =	vor.u32 v4, v12;
	v28 =	vor.u32 v4, v13;
	v13 =	vadd.s32 v8, v11  }
0x217: {  	v30 =	vand.u32 $0xFFFFFFF8, v27;
	v11 =	vadd.s32 v9, v11;
	v29 =	vor.u32 v4, v13  }
0x218: {  	v31 =	vadd.s32 v6, v30;
	v32 =	vadd.s32 v7, v30;
	v4 =	vor.u32 v4, v11  }
0x219: {  	v34 =	vadd.s32 v5, v27;
	v33 =	vadd.s32 v8, v30;
	v10 =	vadd.f32 v10, v0  }
0x21a: {  	v26 =	vand.u32 $0xFFFFFFF8, v34;
	v23 =	vadd.s32 v5, v34  }
0x21b: {  	v35 =	vadd.s32 v6, v26;
	v22 =	vand.u32 $0xFFFFFFF8, v23;
	v19 =	vadd.s32 v5, v23;
	[tilespmem:v12+s20+$0x0] =	vst.idx.msk $0xffff, v10  }
0x21c: {  	v24 =	vadd.s32 v6, v22;
	v25 =	vadd.s32 v7, v22;
	v18 =	vand.u32 $0xFFFFFFF8, v19;
	v36 =	vld [tilespmem:s26+$0xFFFFFE90]  }
0x21d: {  	v16 =	vadd.s32 v5, v19;
	v20 =	vadd.s32 v6, v18;
	v21 =	vadd.s32 v9, v18  }
0x21e: {  	v15 =	vand.u32 $0xFFFFFFF8, v16;
	v12 =	vadd.s32 v5, v16  }
0x21f: {  	v17 =	vadd.s32 v6, v15;
	v11 =	vand.u32 $0xFFFFFFF8, v12;
	v10 =	vadd.s32 v5, v12  }
0x220: {  	v13 =	vadd.s32 v6, v11;
	v14 =	vadd.s32 v7, v11  }
0x221: {  	v36 =	vadd.f32 v36, v1;
	_ =	sdelay $0x1  }
0x222: {  	[tilespmem:v28+s20+$0x0] =	vst.idx.msk $0xffff, v36  }
0x223: {  	v28 =	vld [tilespmem:s26+$0xFFFFFEA0];
	_ =	sdelay $0x4  }
0x224: {  	v28 =	vadd.f32 v28, v2;
	_ =	sdelay $0x1  }
0x225: {  	[tilespmem:v29+s20+$0x0] =	vst.idx.msk $0xffff, v28  }
0x226: {  	v28 =	vld [tilespmem:s26+$0xFFFFFEB0];
	_ =	sdelay $0x4  }
0x227: {  	v28 =	vadd.f32 v28, v3;
	_ =	sdelay $0x1  }
0x228: {  	[tilespmem:v4+s20+$0x0] =	vst.idx.msk $0xffff, v28  }
0x229: {  	v4 =	vld [tilespmem:s26+$0xFFFFFF00]  }
0x22a: {  	v27 =	vand.u32 $0x7, v27  }
0x22b: {  	v29 =	vor.u32 v27, v32;
	v28 =	vor.u32 v27, v31;
	v31 =	vor.u32 v27, v33;
	_ =	sdelay $0x2  }
0x22c: {  	v4 =	vadd.f32 v4, v0;
	_ =	sdelay $0x1  }
0x22d: {  	[tilespmem:v28+s20+$0x0] =	vst.idx.msk $0xffff, v4  }
0x22e: {  	v4 =	vld [tilespmem:s26+$0xFFFFFF10];
	_ =	sdelay $0x4  }
0x22f: {  	v4 =	vadd.f32 v4, v1;
	_ =	sdelay $0x1  }
0x230: {  	[tilespmem:v29+s20+$0x0] =	vst.idx.msk $0xffff, v4  }
0x231: {  	v4 =	vld [tilespmem:s26+$0xFFFFFF20];
	_ =	sdelay $0x4  }
0x232: {  	v4 =	vadd.f32 v4, v2;
	_ =	sdelay $0x1  }
0x233: {  	[tilespmem:v31+s20+$0x0] =	vst.idx.msk $0xffff, v4  }
0x234: {  	v4 =	vld [tilespmem:s26+$0xFFFFFF30]  }
0x235: {  	v28 =	vadd.s32 v9, v30  }
0x236: {  	v27 =	vor.u32 v27, v28;
	_ =	sdelay $0x2  }
0x237: {  	v4 =	vadd.f32 v4, v3;
	_ =	sdelay $0x1  }
0x238: {  	[tilespmem:v27+s20+$0x0] =	vst.idx.msk $0xffff, v4  }
0x239: {  	v4 =	vld [tilespmem:s26+$0xFFFFFF80]  }
0x23a: {  	v27 =	vand.u32 $0x7, v34  }
0x23b: {  	v28 =	vor.u32 v27, v35;
	_ =	sdelay $0x2  }
0x23c: {  	v4 =	vadd.f32 v4, v0;
	_ =	sdelay $0x1  }
0x23d: {  	[tilespmem:v28+s20+$0x0] =	vst.idx.msk $0xffff, v4  }
0x23e: {  	v4 =	vld [tilespmem:s26+$0xFFFFFF90]  }
0x23f: {  	v28 =	vadd.s32 v7, v26  }
0x240: {  	v28 =	vor.u32 v27, v28;
	_ =	sdelay $0x2  }
0x241: {  	v4 =	vadd.f32 v4, v1;
	_ =	sdelay $0x1  }
0x242: {  	[tilespmem:v28+s20+$0x0] =	vst.idx.msk $0xffff, v4  }
0x243: {  	v4 =	vld [tilespmem:s26+$0xFFFFFFA0]  }
0x244: {  	v28 =	vadd.s32 v8, v26  }
0x245: {  	v28 =	vor.u32 v27, v28;
	_ =	sdelay $0x2  }
0x246: {  	v4 =	vadd.f32 v4, v2;
	_ =	sdelay $0x1  }
0x247: {  	[tilespmem:v28+s20+$0x0] =	vst.idx.msk $0xffff, v4  }
0x248: {  	v4 =	vld [tilespmem:s26+$0xFFFFFFB0]  }
0x249: {  	v26 =	vadd.s32 v9, v26  }
0x24a: {  	v26 =	vor.u32 v27, v26;
	_ =	sdelay $0x2  }
0x24b: {  	v4 =	vadd.f32 v4, v3;
	_ =	sdelay $0x1  }
0x24c: {  	[tilespmem:v26+s20+$0x0] =	vst.idx.msk $0xffff, v4  }
0x24d: {  	v4 =	vld [tilespmem:s26+$0x0]  }
0x24e: {  	v23 =	vand.u32 $0x7, v23  }
0x24f: {  	v24 =	vor.u32 v23, v24;
	v25 =	vor.u32 v23, v25;
	_ =	sdelay $0x2  }
0x250: {  	v4 =	vadd.f32 v4, v0;
	_ =	sdelay $0x1  }
0x251: {  	[tilespmem:v24+s20+$0x0] =	vst.idx.msk $0xffff, v4  }
0x252: {  	v4 =	vld [tilespmem:s26+$0x10];
	_ =	sdelay $0x4  }
0x253: {  	v4 =	vadd.f32 v4, v1;
	_ =	sdelay $0x1  }
0x254: {  	[tilespmem:v25+s20+$0x0] =	vst.idx.msk $0xffff, v4  }
0x255: {  	v4 =	vld [tilespmem:s26+$0x20]  }
0x256: {  	v24 =	vadd.s32 v8, v22  }
0x257: {  	v24 =	vor.u32 v23, v24;
	_ =	sdelay $0x2  }
0x258: {  	v4 =	vadd.f32 v4, v2;
	_ =	sdelay $0x1  }
0x259: {  	[tilespmem:v24+s20+$0x0] =	vst.idx.msk $0xffff, v4  }
0x25a: {  	v4 =	vld [tilespmem:s26+$0x30]  }
0x25b: {  	v22 =	vadd.s32 v9, v22  }
0x25c: {  	v22 =	vor.u32 v23, v22;
	_ =	sdelay $0x2  }
0x25d: {  	v4 =	vadd.f32 v4, v3;
	_ =	sdelay $0x1  }
0x25e: {  	[tilespmem:v22+s20+$0x0] =	vst.idx.msk $0xffff, v4  }
0x25f: {  	v4 =	vld [tilespmem:s26+$0x80]  }
0x260: {  	v19 =	vand.u32 $0x7, v19  }
0x261: {  	v20 =	vor.u32 v19, v20;
	v21 =	vor.u32 v19, v21;
	_ =	sdelay $0x2  }
0x262: {  	v4 =	vadd.f32 v4, v0;
	_ =	sdelay $0x1  }
0x263: {  	[tilespmem:v20+s20+$0x0] =	vst.idx.msk $0xffff, v4  }
0x264: {  	v4 =	vld [tilespmem:s26+$0x90]  }
0x265: {  	v20 =	vadd.s32 v7, v18  }
0x266: {  	v20 =	vor.u32 v19, v20;
	_ =	sdelay $0x2  }
0x267: {  	v4 =	vadd.f32 v4, v1;
	_ =	sdelay $0x1  }
0x268: {  	[tilespmem:v20+s20+$0x0] =	vst.idx.msk $0xffff, v4  }
0x269: {  	v4 =	vld [tilespmem:s26+$0xA0]  }
0x26a: {  	v18 =	vadd.s32 v8, v18  }
0x26b: {  	v18 =	vor.u32 v19, v18;
	_ =	sdelay $0x2  }
0x26c: {  	v4 =	vadd.f32 v4, v2;
	_ =	sdelay $0x1  }
0x26d: {  	[tilespmem:v18+s20+$0x0] =	vst.idx.msk $0xffff, v4  }
0x26e: {  	v4 =	vld [tilespmem:s26+$0xB0];
	_ =	sdelay $0x4  }
0x26f: {  	v4 =	vadd.f32 v4, v3;
	_ =	sdelay $0x1  }
0x270: {  	[tilespmem:v21+s20+$0x0] =	vst.idx.msk $0xffff, v4  }
0x271: {  	v4 =	vld [tilespmem:s26+$0x100]  }
0x272: {  	v16 =	vand.u32 $0x7, v16  }
0x273: {  	v17 =	vor.u32 v16, v17;
	_ =	sdelay $0x2  }
0x274: {  	v4 =	vadd.f32 v4, v0;
	_ =	sdelay $0x1  }
0x275: {  	[tilespmem:v17+s20+$0x0] =	vst.idx.msk $0xffff, v4  }
0x276: {  	v4 =	vld [tilespmem:s26+$0x110]  }
0x277: {  	v17 =	vadd.s32 v7, v15  }
0x278: {  	v17 =	vor.u32 v16, v17;
	_ =	sdelay $0x2  }
0x279: {  	v4 =	vadd.f32 v4, v1;
	_ =	sdelay $0x1  }
0x27a: {  	[tilespmem:v17+s20+$0x0] =	vst.idx.msk $0xffff, v4  }
0x27b: {  	v4 =	vld [tilespmem:s26+$0x120]  }
0x27c: {  	v17 =	vadd.s32 v8, v15  }
0x27d: {  	v17 =	vor.u32 v16, v17;
	_ =	sdelay $0x2  }
0x27e: {  	v4 =	vadd.f32 v4, v2;
	_ =	sdelay $0x1  }
0x27f: {  	[tilespmem:v17+s20+$0x0] =	vst.idx.msk $0xffff, v4  }
0x280: {  	v4 =	vld [tilespmem:s26+$0x130]  }
0x281: {  	v15 =	vadd.s32 v9, v15  }
0x282: {  	v15 =	vor.u32 v16, v15;
	_ =	sdelay $0x2  }
0x283: {  	v4 =	vadd.f32 v4, v3;
	_ =	sdelay $0x1  }
0x284: {  	[tilespmem:v15+s20+$0x0] =	vst.idx.msk $0xffff, v4  }
0x285: {  	v4 =	vld [tilespmem:s26+$0x180]  }
0x286: {  	v12 =	vand.u32 $0x7, v12  }
0x287: {  	v13 =	vor.u32 v12, v13;
	v14 =	vor.u32 v12, v14;
	_ =	sdelay $0x2  }
0x288: {  	v4 =	vadd.f32 v4, v0;
	_ =	sdelay $0x1  }
0x289: {  	[tilespmem:v13+s20+$0x0] =	vst.idx.msk $0xffff, v4  }
0x28a: {  	v4 =	vld [tilespmem:s26+$0x190];
	_ =	sdelay $0x4  }
0x28b: {  	v4 =	vadd.f32 v4, v1;
	_ =	sdelay $0x1  }
0x28c: {  	[tilespmem:v14+s20+$0x0] =	vst.idx.msk $0xffff, v4  }
0x28d: {  	v4 =	vld [tilespmem:s26+$0x1A0]  }
0x28e: {  	v13 =	vadd.s32 v8, v11  }
0x28f: {  	v13 =	vor.u32 v12, v13;
	_ =	sdelay $0x2  }
0x290: {  	v4 =	vadd.f32 v4, v2;
	_ =	sdelay $0x1  }
0x291: {  	[tilespmem:v13+s20+$0x0] =	vst.idx.msk $0xffff, v4  }
0x292: {  	v4 =	vld [tilespmem:s26+$0x1B0]  }
.Ltmp2:
0x293: {  	v11 =	vadd.s32 v9, v11;
	(pc) =	sbr.rel @p0 .LBB2_7-.Ltmp2, $2  }
0x294: {  	v11 =	vor.u32 v12, v11;
	_ =	sdelay $0x2  }
0x295: {  	v12 =	vadd.f32 v4, v3  }
0x296: {  	_ = 	snop  }
0x297: {  	s1 =	sshll.u32 s25, $0x12  }
0x298: {  	s1 =	sor.u32 s8, s1  }
0x299: {  	s1 =	sshrl.u32 s1, $0x3  }
0x29a: {  	s26 =	simm.s32 $0x10600;
	[tilespmem:v11+s20+$0x0] =	vst.idx.msk $0xffff, v12;
	s1 =	sadd.s32 s2, s1  }
0x29b: {  	[hbm4b:s1+s3] =	stream.linear.scatter [tilespmem:s26], [sflag:$0x4], $0x80, $0x38;
	[tilespmem:$0x12900] =	vst v63  }
0x29c: {  	s31 =	simm.s32 $0x10688;
	s26 =	sadd.s32 $0x10, s1  }
0x29d: {  	[hbm4b:s26+s3] =	stream.linear.scatter [tilespmem:s31], [sflag:$0x4], $0x80, $0x38;
	[tilespmem:$0x12900] =	vst v63  }
0x29e: {  	s26 =	simm.s32 $0x10710;
	s31 =	sadd.s32 $0x20, s1  }
0x29f: {  	[hbm4b:s31+s3] =	stream.linear.scatter [tilespmem:s26], [sflag:$0x4], $0x80, $0x38;
	[tilespmem:$0x12900] =	vst v63  }
0x2a0: {  	s26 =	simm.s32 $0x10798;
	s31 =	sadd.s32 $0x30, s1  }
0x2a1: {  	[hbm4b:s31+s3] =	stream.linear.scatter [tilespmem:s26], [sflag:$0x4], $0x80, $0x38;
	[tilespmem:$0x12900] =	vst v63  }
0x2a2: {  	s26 =	simm.s32 $0x10820;
	s31 =	sadd.s32 $0x40, s1  }
0x2a3: {  	[hbm4b:s31+s3] =	stream.linear.scatter [tilespmem:s26], [sflag:$0x4], $0x80, $0x38;
	[tilespmem:$0x12900] =	vst v63  }
0x2a4: {  	s25 =	simm.s32 $0x440;
	s26 =	simm.s32 $0x108A8;
	s31 =	sadd.s32 $0x50, s1  }
0x2a5: {  	[hbm4b:s31+s3] =	stream.linear.scatter [tilespmem:s26], [sflag:$0x4], $0x80, $0x38;
	[tilespmem:$0x12900] =	vst v63  }
0x2a6: {  	s28 =	simm.s32 $0x2200;
	s26 =	simm.s32 $0x10930;
	s31 =	sadd.s32 $0x60, s1  }
0x2a7: {  	[hbm4b:s31+s3] =	stream.linear.scatter [tilespmem:s26], [sflag:$0x4], $0x80, $0x38;
	[tilespmem:$0x12900] =	vst v63  }
0x2a8: {  	s29 =	simm.s32 $0x109B8;
	s30 =	sadd.s32 $0x70, s1;
	s26 =	sadd.s32 $0x1000, s1  }
.LBB2_9:
0x2a9: {  	[hbm4b:s30+s3] =	stream.linear.scatter [tilespmem:s29], [sflag:$0x4], $0x80, $0x38;
	[tilespmem:$0x12900] =	vst v63  }
0x2aa: {  	s1 =	smov.u32 s25;
	s25 =	smov.u32 s28  }
0x2ab: {  	s31 =	sadd.s32 $0x1100, s28;
	s25 =	sshra.s32 s25, $0x2;
	s29 =	sadd.s32 $0x10600, s1  }
0x2ac: {  	[hbm4b:s26+s3] =	stream.linear.scatter [tilespmem:s29], [sflag:$0x4], $0x80, $0x38;
	[tilespmem:$0x12900] =	vst v63  }
0x2ad: {  	p0 =	sne.s32 s28, $0x7700;
	s28 =	sadd.s32 $0x10688, s1;
	s29 =	sadd.s32 $0x10, s26  }
0x2ae: {  	[hbm4b:s29+s3] =	stream.linear.scatter [tilespmem:s28], [sflag:$0x4], $0x80, $0x38;
	[tilespmem:$0x12900] =	vst v63  }
0x2af: {  	s28 =	sadd.s32 $0x10710, s1;
	s29 =	sadd.s32 $0x20, s26  }
0x2b0: {  	[hbm4b:s29+s3] =	stream.linear.scatter [tilespmem:s28], [sflag:$0x4], $0x80, $0x38;
	[tilespmem:$0x12900] =	vst v63  }
0x2b1: {  	s28 =	sadd.s32 $0x10798, s1;
	s29 =	sadd.s32 $0x30, s26  }
0x2b2: {  	[hbm4b:s29+s3] =	stream.linear.scatter [tilespmem:s28], [sflag:$0x4], $0x80, $0x38;
	[tilespmem:$0x12900] =	vst v63  }
0x2b3: {  	s28 =	sadd.s32 $0x10820, s1;
	s29 =	sadd.s32 $0x40, s26  }
0x2b4: {  	[hbm4b:s29+s3] =	stream.linear.scatter [tilespmem:s28], [sflag:$0x4], $0x80, $0x38;
	[tilespmem:$0x12900] =	vst v63  }
.Ltmp3:
0x2b5: {  	s28 =	sadd.s32 $0x108A8, s1;
	s29 =	sadd.s32 $0x50, s26;
	(pc) =	sbr.rel @p0 .LBB2_9-.Ltmp3, $4  }
0x2b6: {  	[hbm4b:s29+s3] =	stream.linear.scatter [tilespmem:s28], [sflag:$0x4], $0x80, $0x38;
	[tilespmem:$0x12900] =	vst v63  }
0x2b7: {  	s30 =	sadd.s32 $0x70, s26;
	s28 =	sadd.s32 $0x10930, s1;
	s29 =	sadd.s32 $0x60, s26  }
0x2b8: {  	[hbm4b:s29+s3] =	stream.linear.scatter [tilespmem:s28], [sflag:$0x4], $0x80, $0x38;
	[tilespmem:$0x12900] =	vst v63  }
0x2b9: {  	s26 =	sadd.s32 $0x1000, s26;
	s29 =	sadd.s32 $0x109B8, s1;
	s28 =	smov.u32 s31  }
0x2ba: {  	[hbm4b:s30+s3] =	stream.linear.scatter [tilespmem:s29], [sflag:$0x4], $0x80, $0x38;
	[tilespmem:$0x12900] =	vst v63  }
0x2bb: {  	s1 =	sadd.s32 $0x10600, s25  }
0x2bc: {  	[hbm4b:s26+s3] =	stream.linear.scatter [tilespmem:s1], [sflag:$0x4], $0x80, $0x38;
	[tilespmem:$0x12900] =	vst v63  }
0x2bd: {  	s31 =	sadd.s32 $0x10688, s25;
	s28 =	sadd.s32 $0x10, s26  }
0x2be: {  	[hbm4b:s28+s3] =	stream.linear.scatter [tilespmem:s31], [sflag:$0x4], $0x80, $0x38;
	[tilespmem:$0x12900] =	vst v63  }
0x2bf: {  	s29 =	sadd.s32 $0x10710, s25;
	s30 =	sadd.s32 $0x20, s26  }
0x2c0: {  	[hbm4b:s30+s3] =	stream.linear.scatter [tilespmem:s29], [sflag:$0x4], $0x80, $0x38;
	[tilespmem:$0x12900] =	vst v63  }
0x2c1: {  	s31 =	sadd.s32 $0x10798, s25;
	s29 =	sadd.s32 $0x30, s26  }
0x2c2: {  	[hbm4b:s29+s3] =	stream.linear.scatter [tilespmem:s31], [sflag:$0x4], $0x80, $0x38;
	[tilespmem:$0x12900] =	vst v63  }
0x2c3: {  	s24 =	sadd.s32 $0x1, s24;
	s30 =	sadd.s32 $0x10820, s25;
	s31 =	sadd.s32 $0x40, s26  }
0x2c4: {  	[hbm4b:s31+s3] =	stream.linear.scatter [tilespmem:s30], [sflag:$0x4], $0x80, $0x38;
	[tilespmem:$0x12900] =	vst v63  }
0x2c5: {  	p0 =	sne.s32 s24, $0x64;
	s29 =	sadd.s32 $0x108A8, s25;
	s30 =	sadd.s32 $0x50, s26  }
0x2c6: {  	[hbm4b:s30+s3] =	stream.linear.scatter [tilespmem:s29], [sflag:$0x4], $0x80, $0x38;
	[tilespmem:$0x12900] =	vst v63  }
.Ltmp4:
0x2c7: {  	_ = 	snop;
	(pc) =	sbr.rel @p0 .LBB2_2-.Ltmp4, $4  }
0x2c8: {  	s31 =	sadd.s32 $0x10930, s25;
	s29 =	sadd.s32 $0x60, s26  }
0x2c9: {  	[hbm4b:s29+s3] =	stream.linear.scatter [tilespmem:s31], [sflag:$0x4], $0x80, $0x38;
	[tilespmem:$0x12900] =	vst v63  }
0x2ca: {  	s30 =	sadd.s32 $0x109B8, s25;
	s31 =	sadd.s32 $0x70, s26  }
0x2cb: {  	[hbm4b:s31+s3] =	stream.linear.scatter [tilespmem:s30], [sflag:$0x4], $0x80, $0x38;
	[tilespmem:$0x12900] =	vst v63  }
0x2cc: {  	s23 =	sadd.s32 $0x1, s23  }
0x2cd: {  	_ =	swait.ge [sflag:s21], $0x2000;
	p0 =	sne.s32 s23, s9  }
.Ltmp5:
0x2ce: {  	[sflag:s21] =	ssyncset.done $0x0;
	(pc) =	sbr.rel @p0 .LBB2_1-.Ltmp5, $4  }
0x2cf: {  	[sflag:s21] =	ssyncadd.s32 $0xFFFFE000  }
0x2d0: {  	_ =	swait.ge [sflag:s22], $0x2000  }
0x2d1: {  	[sflag:s22] =	ssyncset.done $0x0  }
0x2d2: {  	[sflag:s22] =	ssyncadd.s32 $0xFFFFE000  }
0x2d3: {  	_ =	sfence.sel $0x180000  }
0x2d4: {  	[bflag:$0x0] =	sbarrier.arrive $0xFFFF  }
0x2d5: {  	_ =	strace $0x90000047  }
0x2d6: {  	[bflag:$0x2] =	sbarrier.arrive $0xFFFF  }
0x2d7: {  	p0 =	sne.s32 s0, $0x0;
	s0 =	rddreg [dreg:$0x2]  }
0x2d8: {  	s0 =	sadd.s32 @!p0 $0x100000, s0  }
0x2d9: {  	[sflag:s0] =	ssyncadd.tile.s32 @!p0 $0x1;
	_ =	shalt  }
.Lfunc_end2:
_tile_overlayer_lowered:
.L_overlay_start_2:
0x2da: {  	(tag) =	ssettag $0x2  }
0x2db: {  	s0 =	rddreg [dreg:$0x0];
	s2 =	stileid.u32  }
0x2dc: {  	s1 =	rddreg [dreg:$0x1];
	p0 =	sne.s32 s2, $0x0  }
0x2dd: {  	s3 =	rddreg [dreg:$0x2];
	[bflag:$0x3] =	sbarrier.arrive $0xFFFF;
	s2 =	simm.s32 @!p0 $0x1C05  }
0x2de: {  	[timem:s3], [sflag:s2] =	dma.local @!p0 [hbm:s0], s1  }
0x2df: {  	s0 =	simm.s32 @!p0 $0x5  }
0x2e0: {  	_ =	swait.ge @!p0 [sflag:s0], s1  }
0x2e1: {  	s1 =	ssub.s32 @!p0 $0x0, s1;
	[sflag:s0] =	ssyncset.done @!p0 $0x0  }
0x2e2: {  	[sflag:s0] =	ssyncadd.s32 @!p0 s1  }
0x2e3: {  	[bflag:$0x3] =	sbarrier.arrive $0xFFFF  }
0x2e4: {  	_ =	shalt  }

</sc_bundles>
